<compile_context>
chip_gen: v7x
topology: tpu7x:2x2x1
jax: 0.10.2.dev20260603
libtpu: 0.0.44.dev20260713+nightly
codegen_flags: <defaults>
</compile_context>

<pallas_src>
import functools

import jax
import jax.numpy as jnp
from jax import lax
from jax.experimental import pallas as pl
from jax.experimental.pallas import tpu as pltpu
from jax.experimental.pallas import tpu_sc as plsc

N = 10000
E = 320000
D = 128

NC = 2
NS = 16
NW = NC * NS
EPW = E // NW
NP = 10240
RPT = NP // NS

KD = 125
NCD = EPW // KD
NBD = 4
NRD = NCD // NBD

K = 80
NCHUNK = EPW // K
NB = 4
NRINGS = (NCHUNK - 1) // NB

_mesh = plsc.VectorSubcoreMesh(core_axis_name="c", subcore_axis_name="s")



@functools.partial(
    pl.kernel,
    out_type=jax.ShapeDtypeStruct((NC * NP, 16), jnp.float32),
    mesh=_mesh,
    scratch_types=[
        pltpu.VMEM((NCD, KD), jnp.int32),
        pltpu.VMEM((KD, 16), jnp.float32),
        pltpu.VMEM((128, 16), jnp.float32),
        pltpu.VMEM_SHARED((NP, 16), jnp.float32),
    ]
    + [pltpu.SemaphoreType.DMA] * (NBD + 1),
)
def _deg_kernel(dst_hbm, degp_hbm, dstb, ones, zbuf, deg2, *sems):
    ssem = sems[:NBD]
    isem = sems[NBD]
    c = lax.axis_index("c")
    s = lax.axis_index("s")
    wid = c * NS + s

    pltpu.async_copy(dst_hbm.at[wid], dstb, isem)

    def fill(i, _):
        ones[i, :] = jnp.ones((16,), jnp.float32)
        return 0

    lax.fori_loop(0, KD, fill, 0)

    def fillz(i, _):
        zbuf[i, :] = jnp.zeros((16,), jnp.float32)
        return 0

    lax.fori_loop(0, 128, fillz, 0)

    for j in range(5):
        pltpu.sync_copy(zbuf, deg2.at[pl.ds(s * RPT + j * 128, 128)])
    pltpu.make_async_copy(dst_hbm.at[wid], dstb, isem).wait()
    plsc.subcore_barrier()

    def scat(b, i):
        pltpu.async_copy(ones, deg2.at[dstb.at[i]], ssem[b])

    def swait(b):
        pltpu.make_async_copy(ones, deg2.at[dstb.at[0]], ssem[b]).wait()

    for b in range(NBD):
        scat(b, b)

    def ring(g, _):
        for b in range(NBD):
            swait(b)
            scat(b, (g + 1) * NBD + b)
        return 0

    lax.fori_loop(0, NRD - 1, ring, 0)
    for b in range(NBD):
        swait(b)
    plsc.subcore_barrier()

    pltpu.sync_copy(
        deg2.at[pl.ds(s * RPT, RPT)],
        degp_hbm.at[pl.ds(c * NP + s * RPT, RPT)],
    )




def _scale_body(x_ref, degp_ref, xr_ref):
    deg = degp_ref[0:N, 0:1] + degp_ref[NP : NP + N, 0:1] + 1.0
    dinv = lax.rsqrt(deg)
    xr_ref[...] = dinv * x_ref[...]


_scale_kernel = pl.pallas_call(
    _scale_body,
    out_shape=jax.ShapeDtypeStruct((N, D), jnp.float32),
)




@functools.partial(
    pl.kernel,
    out_type=jax.ShapeDtypeStruct((NC * NP, D), jnp.float32),
    mesh=_mesh,
    scratch_types=[pltpu.VMEM((K,), jnp.int32)] * NB
    + [pltpu.VMEM((K,), jnp.int32)] * NB
    + [pltpu.VMEM((K, D), jnp.float32)] * NB
    + [pltpu.VMEM_SHARED((NP, D), jnp.float32)]
    + [pltpu.SemaphoreType.DMA] * (3 * NB),
)
def _edge_kernel(xs_hbm, src_hbm, dst_hbm, accp_hbm, *rest):
    srcb = rest[:NB]
    dstb = rest[NB : 2 * NB]
    rows = rest[2 * NB : 3 * NB]
    acc = rest[3 * NB]
    isem = rest[3 * NB + 1 : 3 * NB + 1 + NB]
    gsem = rest[3 * NB + 1 + NB : 3 * NB + 1 + 2 * NB]
    ssem = rest[3 * NB + 1 + 2 * NB :]
    c = lax.axis_index("c")
    s = lax.axis_index("s")
    wid = c * NS + s
    base = wid * EPW

    def idx_start(b, i):
        off = base + i * K
        pltpu.async_copy(src_hbm.at[pl.ds(off, K)], srcb[b], isem[b])
        pltpu.async_copy(dst_hbm.at[pl.ds(off, K)], dstb[b], isem[b])

    def iwait(b):
        pltpu.make_async_copy(src_hbm.at[pl.ds(base, K)], srcb[b],
                              isem[b]).wait()
        pltpu.make_async_copy(dst_hbm.at[pl.ds(base, K)], dstb[b],
                              isem[b]).wait()

    def gath(b):
        pltpu.async_copy(xs_hbm.at[srcb[b]], rows[b], gsem[b])

    def gwait(b):
        pltpu.make_async_copy(xs_hbm.at[srcb[b]], rows[b], gsem[b]).wait()

    def scat(b):
        pltpu.async_copy(rows[b], acc.at[dstb[b]], ssem[b])

    def swait(b):
        pltpu.make_async_copy(rows[b], acc.at[dstb[b]], ssem[b]).wait()

    for b in range(NB):
        idx_start(b, b)
    iwait(0)
    gath(0)
    iwait(1)
    gath(1)

    def zrows(i, _):
        rows[NB - 1][i // 8, pl.ds((i % 8) * 16, 16)] = jnp.zeros(
            (16,), jnp.float32
        )
        return 0

    lax.fori_loop(0, K * 8, zrows, 0)
    for j in range(8):
        pltpu.sync_copy(rows[NB - 1], acc.at[pl.ds(s * RPT + j * K, K)])
    plsc.subcore_barrier()

    def ring(g, _):
        for b in range(NB):
            i = g * NB + b
            gwait(b)
            scat(b)
            b2 = (b + 2) % NB
            iwait(b2)
            gath(b2)
            swait(b)
            idx_start(b, i + NB)
        return 0

    lax.fori_loop(0, (NCHUNK - 5) // NB, ring, 0)
    for i in range(NCHUNK - 5, NCHUNK):
        b = i % NB
        gwait(b)
        scat(b)
        if i + 2 < NCHUNK:
            b2 = (i + 2) % NB
            iwait(b2)
            gath(b2)
        swait(b)
        if i + NB < NCHUNK:
            idx_start(b, i + NB)
    plsc.subcore_barrier()

    pltpu.sync_copy(
        acc.at[pl.ds(s * RPT, RPT)],
        accp_hbm.at[pl.ds(c * NP + s * RPT, RPT)],
    )




def _comb_body(accp_ref, xs_ref, degp_ref, w_ref, b_ref, o_ref):
    deg = degp_ref[0:N, 0:1] + degp_ref[NP : NP + N, 0:1] + 1.0
    dinv = lax.rsqrt(deg)
    agg = dinv * (accp_ref[0:N, :] + accp_ref[NP : NP + N, :] + xs_ref[...])
    o_ref[...] = (
        jnp.dot(agg, w_ref[...], preferred_element_type=jnp.float32)
        + b_ref[...]
    )


_comb_kernel = pl.pallas_call(
    _comb_body,
    out_shape=jax.ShapeDtypeStruct((N, D), jnp.float32),
)


def kernel(x, edge_index, W, b):
    src = edge_index[0]
    dst = edge_index[1]
    dst3 = dst.reshape(NW, NCD, KD)
    degp = _deg_kernel(dst3)
    xr = _scale_kernel(x, degp)
    accp = _edge_kernel(xr, src, dst)
    return _comb_kernel(accp, xr, degp, W, b.reshape(1, D))

# --- scband reference (transcript-rebuilt; emitter-appended) ---
"""Pipeline reference for scband-unified-gnnlayer-simple-14731737825839 (READ-ONLY COPY).

The authoritative reference and input builder live on the scoring server;
editing this copy changes nothing except your own understanding.
"""

import jax, jax.numpy as jnp
import numpy as np

N_NODES = 10000
N_EDGES = 320000
D_IN = 128
D_OUT = 128

def setup_inputs(seed: int = 0) -> dict:
    key = jax.random.key(seed)
    k1, k2, k3 = jax.random.split(key, 3)
    x = jax.random.normal(k1, (N_NODES, D_IN), dtype=jnp.float32)
    edge_index = jax.random.randint(k2, (2, N_EDGES), 0, N_NODES, dtype=jnp.int32)
    # GCNConv linear weight (glorot-ish init), stored as [in, out]
    scale = float(np.sqrt(6.0 / (D_IN + D_OUT)))
    W = jax.random.uniform(k3, (D_IN, D_OUT), dtype=jnp.float32, minval=-scale, maxval=scale)
    b = jnp.zeros((D_OUT,), dtype=jnp.float32)
    return {"x": x, "edge_index": edge_index, "W": W, "b": b}

def reference(x, edge_index, W, b):
    # Faithful GCNConv: add self-loops, symmetric normalization, scatter-add aggregate, bias.
    N = x.shape[0]
    loop = jnp.arange(N, dtype=edge_index.dtype)
    src = jnp.concatenate([edge_index[0], loop])
    dst = jnp.concatenate([edge_index[1], loop])
    ones = jnp.ones(src.shape[0], dtype=x.dtype)
    deg = jnp.zeros((N,), dtype=x.dtype).at[dst].add(ones)
    deg_inv_sqrt = jnp.where(deg > 0, jax.lax.rsqrt(jnp.maximum(deg, 1e-12)), 0.0)
    norm = deg_inv_sqrt[src] * deg_inv_sqrt[dst]
    xw = x @ W
    msgs = norm[:, None] * jnp.take(xw, src, axis=0)
    out = jnp.zeros((N, W.shape[1]), dtype=x.dtype).at[dst].add(msgs)
    out = out + b
    # dropout=0.0 -> identity
    return out

if __name__ == "__main__":
    import jax
    _d = setup_inputs()
    print(jax.jit(kernel)(*tuple(_d.values())))

</pallas_src>

<mosaic_0001>
#map = affine_map<(d0, d1) -> (0, 0)>
#map1 = affine_map<(d0, d1) -> (0)>
module attributes {stable_mosaic.version = 14 : i64} {
  func.func @_edge_kernel(%arg0: i32, %arg1: i32, %arg2: memref<10000x128xf32, #tpu.memory_space<hbm>>, %arg3: memref<320000xi32, #tpu.memory_space<hbm>>, %arg4: memref<320000xi32, #tpu.memory_space<hbm>>, %arg5: memref<20480x128xf32, #tpu.memory_space<hbm>>, %arg6: memref<80xi32, #tpu.memory_space<vmem>>, %arg7: memref<80xi32, #tpu.memory_space<vmem>>, %arg8: memref<80xi32, #tpu.memory_space<vmem>>, %arg9: memref<80xi32, #tpu.memory_space<vmem>>, %arg10: memref<80xi32, #tpu.memory_space<vmem>>, %arg11: memref<80xi32, #tpu.memory_space<vmem>>, %arg12: memref<80xi32, #tpu.memory_space<vmem>>, %arg13: memref<80xi32, #tpu.memory_space<vmem>>, %arg14: memref<80x128xf32, #tpu.memory_space<vmem>>, %arg15: memref<80x128xf32, #tpu.memory_space<vmem>>, %arg16: memref<80x128xf32, #tpu.memory_space<vmem>>, %arg17: memref<80x128xf32, #tpu.memory_space<vmem>>, %arg18: memref<10240x128xf32, #tpu.memory_space<vmem_shared>>, %arg19: memref<!tpu.dma_semaphore, #tpu.memory_space<semaphore_mem>>, %arg20: memref<!tpu.dma_semaphore, #tpu.memory_space<semaphore_mem>>, %arg21: memref<!tpu.dma_semaphore, #tpu.memory_space<semaphore_mem>>, %arg22: memref<!tpu.dma_semaphore, #tpu.memory_space<semaphore_mem>>, %arg23: memref<!tpu.dma_semaphore, #tpu.memory_space<semaphore_mem>>, %arg24: memref<!tpu.dma_semaphore, #tpu.memory_space<semaphore_mem>>, %arg25: memref<!tpu.dma_semaphore, #tpu.memory_space<semaphore_mem>>, %arg26: memref<!tpu.dma_semaphore, #tpu.memory_space<semaphore_mem>>, %arg27: memref<!tpu.dma_semaphore, #tpu.memory_space<semaphore_mem>>, %arg28: memref<!tpu.dma_semaphore, #tpu.memory_space<semaphore_mem>>, %arg29: memref<!tpu.dma_semaphore, #tpu.memory_space<semaphore_mem>>, %arg30: memref<!tpu.dma_semaphore, #tpu.memory_space<semaphore_mem>>) attributes {dimension_semantics = [#tpu.dimension_semantics<core_parallel>, #tpu.dimension_semantics<subcore_parallel>], iteration_bounds = array<i64: 2, 16>, scalar_prefetch = 0 : i64, scratch_operands = 25 : i64, tpu.core_type = #tpu.core_type<sc_vector_subcore>, window_params = [{transform_indices = #map}, {transform_indices = #map1}, {transform_indices = #map1}, {transform_indices = #map}]} {
    %mul3A = arith.constant 16 : i32
    %mul3A_0 = arith.muli %arg0, %mul3A : i32
    %add3A = arith.addi %mul3A_0, %arg1 : i32
    %mul3A_1 = arith.constant 10000 : i32
    %mul3A_2 = arith.muli %add3A, %mul3A_1 : i32
    %add3A_3 = arith.constant 0 : i32
    %add3A_4 = arith.addi %mul3A_2, %add3A_3 : i32
    %dma_start3A = tpu.memref_slice %arg3[%add3A_4] : memref<320000xi32, #tpu.memory_space<hbm>> -> memref<80xi32, #tpu.memory_space<hbm>>
    %dma_start3A_5 = tpu.memref_slice %arg3[%add3A_4] : memref<320000xi32, #tpu.memory_space<hbm>> -> memref<80xi32, #tpu.memory_space<hbm>>
    tpu.enqueue_dma source(%dma_start3A_5 : memref<80xi32, #tpu.memory_space<hbm>>) target(%arg6 : memref<80xi32, #tpu.memory_space<vmem>>) target_semaphore(%arg19 : memref<!tpu.dma_semaphore, #tpu.memory_space<semaphore_mem>>)
    %dma_start3A_6 = tpu.memref_slice %arg4[%add3A_4] : memref<320000xi32, #tpu.memory_space<hbm>> -> memref<80xi32, #tpu.memory_space<hbm>>
    %dma_start3A_7 = tpu.memref_slice %arg4[%add3A_4] : memref<320000xi32, #tpu.memory_space<hbm>> -> memref<80xi32, #tpu.memory_space<hbm>>
    tpu.enqueue_dma source(%dma_start3A_7 : memref<80xi32, #tpu.memory_space<hbm>>) target(%arg10 : memref<80xi32, #tpu.memory_space<vmem>>) target_semaphore(%arg19 : memref<!tpu.dma_semaphore, #tpu.memory_space<semaphore_mem>>)
    %add3A_8 = arith.constant 80 : i32
    %add3A_9 = arith.addi %mul3A_2, %add3A_8 : i32
    %dma_start3A_10 = tpu.memref_slice %arg3[%add3A_9] : memref<320000xi32, #tpu.memory_space<hbm>> -> memref<80xi32, #tpu.memory_space<hbm>>
    %dma_start3A_11 = tpu.memref_slice %arg3[%add3A_9] : memref<320000xi32, #tpu.memory_space<hbm>> -> memref<80xi32, #tpu.memory_space<hbm>>
    tpu.enqueue_dma source(%dma_start3A_11 : memref<80xi32, #tpu.memory_space<hbm>>) target(%arg7 : memref<80xi32, #tpu.memory_space<vmem>>) target_semaphore(%arg20 : memref<!tpu.dma_semaphore, #tpu.memory_space<semaphore_mem>>)
    %dma_start3A_12 = tpu.memref_slice %arg4[%add3A_9] : memref<320000xi32, #tpu.memory_space<hbm>> -> memref<80xi32, #tpu.memory_space<hbm>>
    %dma_start3A_13 = tpu.memref_slice %arg4[%add3A_9] : memref<320000xi32, #tpu.memory_space<hbm>> -> memref<80xi32, #tpu.memory_space<hbm>>
    tpu.enqueue_dma source(%dma_start3A_13 : memref<80xi32, #tpu.memory_space<hbm>>) target(%arg11 : memref<80xi32, #tpu.memory_space<vmem>>) target_semaphore(%arg20 : memref<!tpu.dma_semaphore, #tpu.memory_space<semaphore_mem>>)
    %add3A_14 = arith.constant 160 : i32
    %add3A_15 = arith.addi %mul3A_2, %add3A_14 : i32
    %dma_start3A_16 = tpu.memref_slice %arg3[%add3A_15] : memref<320000xi32, #tpu.memory_space<hbm>> -> memref<80xi32, #tpu.memory_space<hbm>>
    %dma_start3A_17 = tpu.memref_slice %arg3[%add3A_15] : memref<320000xi32, #tpu.memory_space<hbm>> -> memref<80xi32, #tpu.memory_space<hbm>>
    tpu.enqueue_dma source(%dma_start3A_17 : memref<80xi32, #tpu.memory_space<hbm>>) target(%arg8 : memref<80xi32, #tpu.memory_space<vmem>>) target_semaphore(%arg21 : memref<!tpu.dma_semaphore, #tpu.memory_space<semaphore_mem>>)
    %dma_start3A_18 = tpu.memref_slice %arg4[%add3A_15] : memref<320000xi32, #tpu.memory_space<hbm>> -> memref<80xi32, #tpu.memory_space<hbm>>
    %dma_start3A_19 = tpu.memref_slice %arg4[%add3A_15] : memref<320000xi32, #tpu.memory_space<hbm>> -> memref<80xi32, #tpu.memory_space<hbm>>
    tpu.enqueue_dma source(%dma_start3A_19 : memref<80xi32, #tpu.memory_space<hbm>>) target(%arg12 : memref<80xi32, #tpu.memory_space<vmem>>) target_semaphore(%arg21 : memref<!tpu.dma_semaphore, #tpu.memory_space<semaphore_mem>>)
    %add3A_20 = arith.constant 240 : i32
    %add3A_21 = arith.addi %mul3A_2, %add3A_20 : i32
    %dma_start3A_22 = tpu.memref_slice %arg3[%add3A_21] : memref<320000xi32, #tpu.memory_space<hbm>> -> memref<80xi32, #tpu.memory_space<hbm>>
    %dma_start3A_23 = tpu.memref_slice %arg3[%add3A_21] : memref<320000xi32, #tpu.memory_space<hbm>> -> memref<80xi32, #tpu.memory_space<hbm>>
    tpu.enqueue_dma source(%dma_start3A_23 : memref<80xi32, #tpu.memory_space<hbm>>) target(%arg9 : memref<80xi32, #tpu.memory_space<vmem>>) target_semaphore(%arg22 : memref<!tpu.dma_semaphore, #tpu.memory_space<semaphore_mem>>)
    %dma_start3A_24 = tpu.memref_slice %arg4[%add3A_21] : memref<320000xi32, #tpu.memory_space<hbm>> -> memref<80xi32, #tpu.memory_space<hbm>>
    %dma_start3A_25 = tpu.memref_slice %arg4[%add3A_21] : memref<320000xi32, #tpu.memory_space<hbm>> -> memref<80xi32, #tpu.memory_space<hbm>>
    tpu.enqueue_dma source(%dma_start3A_25 : memref<80xi32, #tpu.memory_space<hbm>>) target(%arg13 : memref<80xi32, #tpu.memory_space<vmem>>) target_semaphore(%arg22 : memref<!tpu.dma_semaphore, #tpu.memory_space<semaphore_mem>>)
    %dma_wait3A = tpu.memref_slice %arg3[%mul3A_2] : memref<320000xi32, #tpu.memory_space<hbm>> -> memref<80xi32, #tpu.memory_space<hbm>>
    %dma_wait3A_26 = tpu.memref_slice %arg3[%mul3A_2] : memref<320000xi32, #tpu.memory_space<hbm>> -> memref<80xi32, #tpu.memory_space<hbm>>
    tpu.wait_dma2 semaphore(%arg19 : memref<!tpu.dma_semaphore, #tpu.memory_space<semaphore_mem>>) src(%dma_wait3A_26 : memref<80xi32, #tpu.memory_space<hbm>>) dst(%arg6 : memref<80xi32, #tpu.memory_space<vmem>>)
    %dma_wait3A_27 = tpu.memref_slice %arg4[%mul3A_2] : memref<320000xi32, #tpu.memory_space<hbm>> -> memref<80xi32, #tpu.memory_space<hbm>>
    %dma_wait3A_28 = tpu.memref_slice %arg4[%mul3A_2] : memref<320000xi32, #tpu.memory_space<hbm>> -> memref<80xi32, #tpu.memory_space<hbm>>
    tpu.wait_dma2 semaphore(%arg19 : memref<!tpu.dma_semaphore, #tpu.memory_space<semaphore_mem>>) src(%dma_wait3A_28 : memref<80xi32, #tpu.memory_space<hbm>>) dst(%arg10 : memref<80xi32, #tpu.memory_space<vmem>>)
    %dma_start3A_29 = arith.constant 0 : i32
    %dma_start3A_30 = arith.constant 0 : i32
    %dma_start3A_31 = tpu.memref_slice %arg2[%dma_start3A_29, %dma_start3A_30] : memref<10000x128xf32, #tpu.memory_space<hbm>> -> memref<10000x128xf32, #tpu.memory_space<hbm>>
    tpu.enqueue_indirect_dma source(%dma_start3A_31 : memref<10000x128xf32, #tpu.memory_space<hbm>>) target(%arg14 : memref<80x128xf32, #tpu.memory_space<vmem>>) offsets(%arg6 : memref<80xi32, #tpu.memory_space<vmem>>) semaphore(%arg23 : memref<!tpu.dma_semaphore, #tpu.memory_space<semaphore_mem>>)
    %dma_wait3A_32 = tpu.memref_slice %arg3[%mul3A_2] : memref<320000xi32, #tpu.memory_space<hbm>> -> memref<80xi32, #tpu.memory_space<hbm>>
    %dma_wait3A_33 = tpu.memref_slice %arg3[%mul3A_2] : memref<320000xi32, #tpu.memory_space<hbm>> -> memref<80xi32, #tpu.memory_space<hbm>>
    tpu.wait_dma2 semaphore(%arg20 : memref<!tpu.dma_semaphore, #tpu.memory_space<semaphore_mem>>) src(%dma_wait3A_33 : memref<80xi32, #tpu.memory_space<hbm>>) dst(%arg7 : memref<80xi32, #tpu.memory_space<vmem>>)
    %dma_wait3A_34 = tpu.memref_slice %arg4[%mul3A_2] : memref<320000xi32, #tpu.memory_space<hbm>> -> memref<80xi32, #tpu.memory_space<hbm>>
    %dma_wait3A_35 = tpu.memref_slice %arg4[%mul3A_2] : memref<320000xi32, #tpu.memory_space<hbm>> -> memref<80xi32, #tpu.memory_space<hbm>>
    tpu.wait_dma2 semaphore(%arg20 : memref<!tpu.dma_semaphore, #tpu.memory_space<semaphore_mem>>) src(%dma_wait3A_35 : memref<80xi32, #tpu.memory_space<hbm>>) dst(%arg11 : memref<80xi32, #tpu.memory_space<vmem>>)
    %dma_start3A_36 = arith.constant 0 : i32
    %dma_start3A_37 = arith.constant 0 : i32
    %dma_start3A_38 = tpu.memref_slice %arg2[%dma_start3A_36, %dma_start3A_37] : memref<10000x128xf32, #tpu.memory_space<hbm>> -> memref<10000x128xf32, #tpu.memory_space<hbm>>
    tpu.enqueue_indirect_dma source(%dma_start3A_38 : memref<10000x128xf32, #tpu.memory_space<hbm>>) target(%arg15 : memref<80x128xf32, #tpu.memory_space<vmem>>) offsets(%arg7 : memref<80xi32, #tpu.memory_space<vmem>>) semaphore(%arg24 : memref<!tpu.dma_semaphore, #tpu.memory_space<semaphore_mem>>)
    %scan3A = arith.constant 0 : i32
    %scan3A_39 = arith.constant 0 : i32
    %scan3A_40 = arith.constant 640 : i32
    %scan3A_41 = arith.addi %scan3A_39, %scan3A_40 : i32
    %scan3A_42 = arith.constant 1 : i32
    %scan3A_43 = scf.for %scan3A_164 = %scan3A_39 to %scan3A_41 step %scan3A_42 iter_args(%scan3A_165 = %scan3A) -> (i32)  : i32 {
      %broadcast_in_dim3A = arith.constant 0.000000e+00 : f32
      %broadcast_in_dim3A_166 = vector.broadcast %broadcast_in_dim3A : f32 to vector<16xf32>
      %jit3A = arith.constant 8 : i32
      %div3A = arith.divsi %scan3A_164, %jit3A : i32
      %sign3A = arith.constant 0 : i32
      %sign3A_167 = arith.cmpi sgt, %scan3A_164, %sign3A : i32
      %sign3A_168 = arith.extui %sign3A_167 : i1 to i32
      %sign3A_169 = arith.constant 0 : i32
      %sign3A_170 = arith.cmpi slt, %scan3A_164, %sign3A_169 : i32
      %sign3A_171 = arith.extui %sign3A_170 : i1 to i32
      %sign3A_172 = arith.subi %sign3A_168, %sign3A_171 : i32
      %sign3A_173 = arith.constant 0 : i32
      %sign3A_174 = arith.cmpi sgt, %jit3A, %sign3A_173 : i32
      %sign3A_175 = arith.extui %sign3A_174 : i1 to i32
      %sign3A_176 = arith.constant 0 : i32
      %sign3A_177 = arith.cmpi slt, %jit3A, %sign3A_176 : i32
      %sign3A_178 = arith.extui %sign3A_177 : i1 to i32
      %sign3A_179 = arith.subi %sign3A_175, %sign3A_178 : i32
      %ne3A = arith.cmpi ne, %sign3A_172, %sign3A_179 : i32
      %rem3A = arith.remsi %scan3A_164, %jit3A : i32
      %ne3A_180 = arith.constant 0 : i32
      %ne3A_181 = arith.cmpi ne, %rem3A, %ne3A_180 : i32
      %and3A = arith.andi %ne3A, %ne3A_181 : i1
      %sub3A = arith.constant 1 : i32
      %sub3A_182 = arith.subi %div3A, %sub3A : i32
      %select_n3A = arith.select %and3A, %sub3A_182, %div3A : i32
      %jit3A_183 = arith.constant 8 : i32
      %eq3A = arith.constant 0 : i32
      %eq3A_184 = arith.cmpi eq, %jit3A_183, %eq3A : i32
      %jit3A_185 = arith.constant 1 : i32
      %select_n3A_186 = arith.select %eq3A_184, %jit3A_185, %jit3A_183 : i32
      %rem3A_187 = arith.remsi %scan3A_164, %select_n3A_186 : i32
      %ne3A_188 = arith.constant 0 : i32
      %ne3A_189 = arith.cmpi ne, %rem3A_187, %ne3A_188 : i32
      %lt3A = arith.constant 0 : i32
      %lt3A_190 = arith.cmpi slt, %rem3A_187, %lt3A : i32
      %lt3A_191 = arith.constant 0 : i32
      %lt3A_192 = arith.cmpi slt, %select_n3A_186, %lt3A_191 : i32
      %ne3A_193 = arith.xori %lt3A_190, %lt3A_192 : i1
      %and3A_194 = arith.andi %ne3A_193, %ne3A_189 : i1
      %add3A_195 = arith.addi %rem3A_187, %select_n3A_186 : i32
      %select_n3A_196 = arith.select %and3A_194, %add3A_195, %rem3A_187 : i32
      %mul3A_197 = arith.constant 16 : i32
      %mul3A_198 = arith.muli %select_n3A_196, %mul3A_197 : i32
      %swap3A = arith.index_cast %select_n3A : i32 to index
      %swap3A_199 = arith.index_cast %mul3A_198 : i32 to index
      %swap3A_200 = tpu.vector_load %arg17[%swap3A, %swap3A_199] {strides = array<i32>} : memref<80x128xf32, #tpu.memory_space<vmem>>, vector<1x16xf32>,
      %swap3A_201 = vector.shape_cast %swap3A_200 : vector<1x16xf32> to vector<16xf32>
      %swap3A_202 = vector.shape_cast %broadcast_in_dim3A_166 : vector<16xf32> to vector<1x16xf32>
      tpu.vector_store %arg17[%swap3A, %swap3A_199], %swap3A_202 {strides = array<i32>} : memref<80x128xf32, #tpu.memory_space<vmem>>, vector<1x16xf32>,
      %scan3A_203 = arith.constant 0 : i32
      scf.yield %scan3A_203 : i32
    }
    %scan3A_44 = arith.constant 640 : i32
    %mul3A_45 = arith.constant 640 : i32
    %mul3A_46 = arith.muli %arg1, %mul3A_45 : i32
    %add3A_47 = arith.constant 0 : i32
    %add3A_48 = arith.addi %mul3A_46, %add3A_47 : i32
    "tpu.region"() ({
      %run_scoped3A = tpu.sem_alloc : memref<!tpu.dma_semaphore, #tpu.memory_space<semaphore_mem>>
      %dma_start3A_164 = arith.constant 0 : i32
      %dma_start3A_165 = tpu.memref_slice %arg18[%add3A_48, %dma_start3A_164] : memref<10240x128xf32, #tpu.memory_space<vmem_shared>> -> memref<80x128xf32, #tpu.memory_space<vmem_shared>>
      %dma_start3A_166 = arith.constant 0 : i32
      %dma_start3A_167 = tpu.memref_slice %arg18[%add3A_48, %dma_start3A_166] : memref<10240x128xf32, #tpu.memory_space<vmem_shared>> -> memref<80x128xf32, #tpu.memory_space<vmem_shared>>
      tpu.enqueue_dma source(%arg17 : memref<80x128xf32, #tpu.memory_space<vmem>>) target(%dma_start3A_167 : memref<80x128xf32, #tpu.memory_space<vmem_shared>>) target_semaphore(%run_scoped3A : memref<!tpu.dma_semaphore, #tpu.memory_space<semaphore_mem>>)
      %dma_wait3A_168 = arith.constant 0 : i32
      %dma_wait3A_169 = tpu.memref_slice %arg18[%add3A_48, %dma_wait3A_168] : memref<10240x128xf32, #tpu.memory_space<vmem_shared>> -> memref<80x128xf32, #tpu.memory_space<vmem_shared>>
      %dma_wait3A_170 = arith.constant 0 : i32
      %dma_wait3A_171 = tpu.memref_slice %arg18[%add3A_48, %dma_wait3A_170] : memref<10240x128xf32, #tpu.memory_space<vmem_shared>> -> memref<80x128xf32, #tpu.memory_space<vmem_shared>>
      tpu.wait_dma2 semaphore(%run_scoped3A : memref<!tpu.dma_semaphore, #tpu.memory_space<semaphore_mem>>) src(%arg17 : memref<80x128xf32, #tpu.memory_space<vmem>>) dst(%dma_wait3A_171 : memref<80x128xf32, #tpu.memory_space<vmem_shared>>)
      tpu.yield
    }) : () -> ()
    %mul3A_49 = arith.constant 640 : i32
    %mul3A_50 = arith.muli %arg1, %mul3A_49 : i32
    %add3A_51 = arith.constant 80 : i32
    %add3A_52 = arith.addi %mul3A_50, %add3A_51 : i32
    "tpu.region"() ({
      %run_scoped3A = tpu.sem_alloc : memref<!tpu.dma_semaphore, #tpu.memory_space<semaphore_mem>>
      %dma_start3A_164 = arith.constant 0 : i32
      %dma_start3A_165 = tpu.memref_slice %arg18[%add3A_52, %dma_start3A_164] : memref<10240x128xf32, #tpu.memory_space<vmem_shared>> -> memref<80x128xf32, #tpu.memory_space<vmem_shared>>
      %dma_start3A_166 = arith.constant 0 : i32
      %dma_start3A_167 = tpu.memref_slice %arg18[%add3A_52, %dma_start3A_166] : memref<10240x128xf32, #tpu.memory_space<vmem_shared>> -> memref<80x128xf32, #tpu.memory_space<vmem_shared>>
      tpu.enqueue_dma source(%arg17 : memref<80x128xf32, #tpu.memory_space<vmem>>) target(%dma_start3A_167 : memref<80x128xf32, #tpu.memory_space<vmem_shared>>) target_semaphore(%run_scoped3A : memref<!tpu.dma_semaphore, #tpu.memory_space<semaphore_mem>>)
      %dma_wait3A_168 = arith.constant 0 : i32
      %dma_wait3A_169 = tpu.memref_slice %arg18[%add3A_52, %dma_wait3A_168] : memref<10240x128xf32, #tpu.memory_space<vmem_shared>> -> memref<80x128xf32, #tpu.memory_space<vmem_shared>>
      %dma_wait3A_170 = arith.constant 0 : i32
      %dma_wait3A_171 = tpu.memref_slice %arg18[%add3A_52, %dma_wait3A_170] : memref<10240x128xf32, #tpu.memory_space<vmem_shared>> -> memref<80x128xf32, #tpu.memory_space<vmem_shared>>
      tpu.wait_dma2 semaphore(%run_scoped3A : memref<!tpu.dma_semaphore, #tpu.memory_space<semaphore_mem>>) src(%arg17 : memref<80x128xf32, #tpu.memory_space<vmem>>) dst(%dma_wait3A_171 : memref<80x128xf32, #tpu.memory_space<vmem_shared>>)
      tpu.yield
    }) : () -> ()
    %mul3A_53 = arith.constant 640 : i32
    %mul3A_54 = arith.muli %arg1, %mul3A_53 : i32
    %add3A_55 = arith.constant 160 : i32
    %add3A_56 = arith.addi %mul3A_54, %add3A_55 : i32
    "tpu.region"() ({
      %run_scoped3A = tpu.sem_alloc : memref<!tpu.dma_semaphore, #tpu.memory_space<semaphore_mem>>
      %dma_start3A_164 = arith.constant 0 : i32
      %dma_start3A_165 = tpu.memref_slice %arg18[%add3A_56, %dma_start3A_164] : memref<10240x128xf32, #tpu.memory_space<vmem_shared>> -> memref<80x128xf32, #tpu.memory_space<vmem_shared>>
      %dma_start3A_166 = arith.constant 0 : i32
      %dma_start3A_167 = tpu.memref_slice %arg18[%add3A_56, %dma_start3A_166] : memref<10240x128xf32, #tpu.memory_space<vmem_shared>> -> memref<80x128xf32, #tpu.memory_space<vmem_shared>>
      tpu.enqueue_dma source(%arg17 : memref<80x128xf32, #tpu.memory_space<vmem>>) target(%dma_start3A_167 : memref<80x128xf32, #tpu.memory_space<vmem_shared>>) target_semaphore(%run_scoped3A : memref<!tpu.dma_semaphore, #tpu.memory_space<semaphore_mem>>)
      %dma_wait3A_168 = arith.constant 0 : i32
      %dma_wait3A_169 = tpu.memref_slice %arg18[%add3A_56, %dma_wait3A_168] : memref<10240x128xf32, #tpu.memory_space<vmem_shared>> -> memref<80x128xf32, #tpu.memory_space<vmem_shared>>
      %dma_wait3A_170 = arith.constant 0 : i32
      %dma_wait3A_171 = tpu.memref_slice %arg18[%add3A_56, %dma_wait3A_170] : memref<10240x128xf32, #tpu.memory_space<vmem_shared>> -> memref<80x128xf32, #tpu.memory_space<vmem_shared>>
      tpu.wait_dma2 semaphore(%run_scoped3A : memref<!tpu.dma_semaphore, #tpu.memory_space<semaphore_mem>>) src(%arg17 : memref<80x128xf32, #tpu.memory_space<vmem>>) dst(%dma_wait3A_171 : memref<80x128xf32, #tpu.memory_space<vmem_shared>>)
      tpu.yield
    }) : () -> ()
    %mul3A_57 = arith.constant 640 : i32
    %mul3A_58 = arith.muli %arg1, %mul3A_57 : i32
    %add3A_59 = arith.constant 240 : i32
    %add3A_60 = arith.addi %mul3A_58, %add3A_59 : i32
    "tpu.region"() ({
      %run_scoped3A = tpu.sem_alloc : memref<!tpu.dma_semaphore, #tpu.memory_space<semaphore_mem>>
      %dma_start3A_164 = arith.constant 0 : i32
      %dma_start3A_165 = tpu.memref_slice %arg18[%add3A_60, %dma_start3A_164] : memref<10240x128xf32, #tpu.memory_space<vmem_shared>> -> memref<80x128xf32, #tpu.memory_space<vmem_shared>>
      %dma_start3A_166 = arith.constant 0 : i32
      %dma_start3A_167 = tpu.memref_slice %arg18[%add3A_60, %dma_start3A_166] : memref<10240x128xf32, #tpu.memory_space<vmem_shared>> -> memref<80x128xf32, #tpu.memory_space<vmem_shared>>
      tpu.enqueue_dma source(%arg17 : memref<80x128xf32, #tpu.memory_space<vmem>>) target(%dma_start3A_167 : memref<80x128xf32, #tpu.memory_space<vmem_shared>>) target_semaphore(%run_scoped3A : memref<!tpu.dma_semaphore, #tpu.memory_space<semaphore_mem>>)
      %dma_wait3A_168 = arith.constant 0 : i32
      %dma_wait3A_169 = tpu.memref_slice %arg18[%add3A_60, %dma_wait3A_168] : memref<10240x128xf32, #tpu.memory_space<vmem_shared>> -> memref<80x128xf32, #tpu.memory_space<vmem_shared>>
      %dma_wait3A_170 = arith.constant 0 : i32
      %dma_wait3A_171 = tpu.memref_slice %arg18[%add3A_60, %dma_wait3A_170] : memref<10240x128xf32, #tpu.memory_space<vmem_shared>> -> memref<80x128xf32, #tpu.memory_space<vmem_shared>>
      tpu.wait_dma2 semaphore(%run_scoped3A : memref<!tpu.dma_semaphore, #tpu.memory_space<semaphore_mem>>) src(%arg17 : memref<80x128xf32, #tpu.memory_space<vmem>>) dst(%dma_wait3A_171 : memref<80x128xf32, #tpu.memory_space<vmem_shared>>)
      tpu.yield
    }) : () -> ()
    %mul3A_61 = arith.constant 640 : i32
    %mul3A_62 = arith.muli %arg1, %mul3A_61 : i32
    %add3A_63 = arith.constant 320 : i32
    %add3A_64 = arith.addi %mul3A_62, %add3A_63 : i32
    "tpu.region"() ({
      %run_scoped3A = tpu.sem_alloc : memref<!tpu.dma_semaphore, #tpu.memory_space<semaphore_mem>>
      %dma_start3A_164 = arith.constant 0 : i32
      %dma_start3A_165 = tpu.memref_slice %arg18[%add3A_64, %dma_start3A_164] : memref<10240x128xf32, #tpu.memory_space<vmem_shared>> -> memref<80x128xf32, #tpu.memory_space<vmem_shared>>
      %dma_start3A_166 = arith.constant 0 : i32
      %dma_start3A_167 = tpu.memref_slice %arg18[%add3A_64, %dma_start3A_166] : memref<10240x128xf32, #tpu.memory_space<vmem_shared>> -> memref<80x128xf32, #tpu.memory_space<vmem_shared>>
      tpu.enqueue_dma source(%arg17 : memref<80x128xf32, #tpu.memory_space<vmem>>) target(%dma_start3A_167 : memref<80x128xf32, #tpu.memory_space<vmem_shared>>) target_semaphore(%run_scoped3A : memref<!tpu.dma_semaphore, #tpu.memory_space<semaphore_mem>>)
      %dma_wait3A_168 = arith.constant 0 : i32
      %dma_wait3A_169 = tpu.memref_slice %arg18[%add3A_64, %dma_wait3A_168] : memref<10240x128xf32, #tpu.memory_space<vmem_shared>> -> memref<80x128xf32, #tpu.memory_space<vmem_shared>>
      %dma_wait3A_170 = arith.constant 0 : i32
      %dma_wait3A_171 = tpu.memref_slice %arg18[%add3A_64, %dma_wait3A_170] : memref<10240x128xf32, #tpu.memory_space<vmem_shared>> -> memref<80x128xf32, #tpu.memory_space<vmem_shared>>
      tpu.wait_dma2 semaphore(%run_scoped3A : memref<!tpu.dma_semaphore, #tpu.memory_space<semaphore_mem>>) src(%arg17 : memref<80x128xf32, #tpu.memory_space<vmem>>) dst(%dma_wait3A_171 : memref<80x128xf32, #tpu.memory_space<vmem_shared>>)
      tpu.yield
    }) : () -> ()
    %mul3A_65 = arith.constant 640 : i32
    %mul3A_66 = arith.muli %arg1, %mul3A_65 : i32
    %add3A_67 = arith.constant 400 : i32
    %add3A_68 = arith.addi %mul3A_66, %add3A_67 : i32
    "tpu.region"() ({
      %run_scoped3A = tpu.sem_alloc : memref<!tpu.dma_semaphore, #tpu.memory_space<semaphore_mem>>
      %dma_start3A_164 = arith.constant 0 : i32
      %dma_start3A_165 = tpu.memref_slice %arg18[%add3A_68, %dma_start3A_164] : memref<10240x128xf32, #tpu.memory_space<vmem_shared>> -> memref<80x128xf32, #tpu.memory_space<vmem_shared>>
      %dma_start3A_166 = arith.constant 0 : i32
      %dma_start3A_167 = tpu.memref_slice %arg18[%add3A_68, %dma_start3A_166] : memref<10240x128xf32, #tpu.memory_space<vmem_shared>> -> memref<80x128xf32, #tpu.memory_space<vmem_shared>>
      tpu.enqueue_dma source(%arg17 : memref<80x128xf32, #tpu.memory_space<vmem>>) target(%dma_start3A_167 : memref<80x128xf32, #tpu.memory_space<vmem_shared>>) target_semaphore(%run_scoped3A : memref<!tpu.dma_semaphore, #tpu.memory_space<semaphore_mem>>)
      %dma_wait3A_168 = arith.constant 0 : i32
      %dma_wait3A_169 = tpu.memref_slice %arg18[%add3A_68, %dma_wait3A_168] : memref<10240x128xf32, #tpu.memory_space<vmem_shared>> -> memref<80x128xf32, #tpu.memory_space<vmem_shared>>
      %dma_wait3A_170 = arith.constant 0 : i32
      %dma_wait3A_171 = tpu.memref_slice %arg18[%add3A_68, %dma_wait3A_170] : memref<10240x128xf32, #tpu.memory_space<vmem_shared>> -> memref<80x128xf32, #tpu.memory_space<vmem_shared>>
      tpu.wait_dma2 semaphore(%run_scoped3A : memref<!tpu.dma_semaphore, #tpu.memory_space<semaphore_mem>>) src(%arg17 : memref<80x128xf32, #tpu.memory_space<vmem>>) dst(%dma_wait3A_171 : memref<80x128xf32, #tpu.memory_space<vmem_shared>>)
      tpu.yield
    }) : () -> ()
    %mul3A_69 = arith.constant 640 : i32
    %mul3A_70 = arith.muli %arg1, %mul3A_69 : i32
    %add3A_71 = arith.constant 480 : i32
    %add3A_72 = arith.addi %mul3A_70, %add3A_71 : i32
    "tpu.region"() ({
      %run_scoped3A = tpu.sem_alloc : memref<!tpu.dma_semaphore, #tpu.memory_space<semaphore_mem>>
      %dma_start3A_164 = arith.constant 0 : i32
      %dma_start3A_165 = tpu.memref_slice %arg18[%add3A_72, %dma_start3A_164] : memref<10240x128xf32, #tpu.memory_space<vmem_shared>> -> memref<80x128xf32, #tpu.memory_space<vmem_shared>>
      %dma_start3A_166 = arith.constant 0 : i32
      %dma_start3A_167 = tpu.memref_slice %arg18[%add3A_72, %dma_start3A_166] : memref<10240x128xf32, #tpu.memory_space<vmem_shared>> -> memref<80x128xf32, #tpu.memory_space<vmem_shared>>
      tpu.enqueue_dma source(%arg17 : memref<80x128xf32, #tpu.memory_space<vmem>>) target(%dma_start3A_167 : memref<80x128xf32, #tpu.memory_space<vmem_shared>>) target_semaphore(%run_scoped3A : memref<!tpu.dma_semaphore, #tpu.memory_space<semaphore_mem>>)
      %dma_wait3A_168 = arith.constant 0 : i32
      %dma_wait3A_169 = tpu.memref_slice %arg18[%add3A_72, %dma_wait3A_168] : memref<10240x128xf32, #tpu.memory_space<vmem_shared>> -> memref<80x128xf32, #tpu.memory_space<vmem_shared>>
      %dma_wait3A_170 = arith.constant 0 : i32
      %dma_wait3A_171 = tpu.memref_slice %arg18[%add3A_72, %dma_wait3A_170] : memref<10240x128xf32, #tpu.memory_space<vmem_shared>> -> memref<80x128xf32, #tpu.memory_space<vmem_shared>>
      tpu.wait_dma2 semaphore(%run_scoped3A : memref<!tpu.dma_semaphore, #tpu.memory_space<semaphore_mem>>) src(%arg17 : memref<80x128xf32, #tpu.memory_space<vmem>>) dst(%dma_wait3A_171 : memref<80x128xf32, #tpu.memory_space<vmem_shared>>)
      tpu.yield
    }) : () -> ()
    %mul3A_73 = arith.constant 640 : i32
    %mul3A_74 = arith.muli %arg1, %mul3A_73 : i32
    %add3A_75 = arith.constant 560 : i32
    %add3A_76 = arith.addi %mul3A_74, %add3A_75 : i32
    "tpu.region"() ({
      %run_scoped3A = tpu.sem_alloc : memref<!tpu.dma_semaphore, #tpu.memory_space<semaphore_mem>>
      %dma_start3A_164 = arith.constant 0 : i32
      %dma_start3A_165 = tpu.memref_slice %arg18[%add3A_76, %dma_start3A_164] : memref<10240x128xf32, #tpu.memory_space<vmem_shared>> -> memref<80x128xf32, #tpu.memory_space<vmem_shared>>
      %dma_start3A_166 = arith.constant 0 : i32
      %dma_start3A_167 = tpu.memref_slice %arg18[%add3A_76, %dma_start3A_166] : memref<10240x128xf32, #tpu.memory_space<vmem_shared>> -> memref<80x128xf32, #tpu.memory_space<vmem_shared>>
      tpu.enqueue_dma source(%arg17 : memref<80x128xf32, #tpu.memory_space<vmem>>) target(%dma_start3A_167 : memref<80x128xf32, #tpu.memory_space<vmem_shared>>) target_semaphore(%run_scoped3A : memref<!tpu.dma_semaphore, #tpu.memory_space<semaphore_mem>>)
      %dma_wait3A_168 = arith.constant 0 : i32
      %dma_wait3A_169 = tpu.memref_slice %arg18[%add3A_76, %dma_wait3A_168] : memref<10240x128xf32, #tpu.memory_space<vmem_shared>> -> memref<80x128xf32, #tpu.memory_space<vmem_shared>>
      %dma_wait3A_170 = arith.constant 0 : i32
      %dma_wait3A_171 = tpu.memref_slice %arg18[%add3A_76, %dma_wait3A_170] : memref<10240x128xf32, #tpu.memory_space<vmem_shared>> -> memref<80x128xf32, #tpu.memory_space<vmem_shared>>
      tpu.wait_dma2 semaphore(%run_scoped3A : memref<!tpu.dma_semaphore, #tpu.memory_space<semaphore_mem>>) src(%arg17 : memref<80x128xf32, #tpu.memory_space<vmem>>) dst(%dma_wait3A_171 : memref<80x128xf32, #tpu.memory_space<vmem_shared>>)
      tpu.yield
    }) : () -> ()
    %barrier3A = arith.constant 0 : index
    tpu.barrier barrier_id(%barrier3A)
    %scan3A_77 = arith.constant 0 : i32
    %scan3A_78 = arith.constant 0 : i32
    %scan3A_79 = arith.constant 30 : i32
    %scan3A_80 = arith.addi %scan3A_78, %scan3A_79 : i32
    %scan3A_81 = arith.constant 1 : i32
    %scan3A_82 = scf.for %scan3A_164 = %scan3A_78 to %scan3A_80 step %scan3A_81 iter_args(%scan3A_165 = %scan3A_77) -> (i32)  : i32 {
      %mul3A_166 = arith.constant 4 : i32
      %mul3A_167 = arith.muli %scan3A_164, %mul3A_166 : i32
      %add3A_168 = arith.constant 0 : i32
      %add3A_169 = arith.addi %mul3A_167, %add3A_168 : i32
      %dma_wait3A_170 = arith.constant 0 : i32
      %dma_wait3A_171 = arith.constant 0 : i32
      %dma_wait3A_172 = tpu.memref_slice %arg2[%dma_wait3A_170, %dma_wait3A_171] : memref<10000x128xf32, #tpu.memory_space<hbm>> -> memref<10000x128xf32, #tpu.memory_space<hbm>>
      tpu.wait_indirect_dma semaphore(%arg23 : memref<!tpu.dma_semaphore, #tpu.memory_space<semaphore_mem>>) src(%dma_wait3A_172 : memref<10000x128xf32, #tpu.memory_space<hbm>>) dst(%arg14 : memref<80x128xf32, #tpu.memory_space<vmem>>)
      %dma_start3A_173 = arith.constant 0 : i32
      %dma_start3A_174 = arith.constant 0 : i32
      %dma_start3A_175 = tpu.memref_slice %arg18[%dma_start3A_173, %dma_start3A_174] : memref<10240x128xf32, #tpu.memory_space<vmem_shared>> -> memref<10240x128xf32, #tpu.memory_space<vmem_shared>>
      tpu.enqueue_indirect_dma source(%arg14 : memref<80x128xf32, #tpu.memory_space<vmem>>) target(%dma_start3A_175 : memref<10240x128xf32, #tpu.memory_space<vmem_shared>>) offsets(%arg10 : memref<80xi32, #tpu.memory_space<vmem>>) semaphore(%arg27 : memref<!tpu.dma_semaphore, #tpu.memory_space<semaphore_mem>>)
      %dma_wait3A_176 = tpu.memref_slice %arg3[%mul3A_2] : memref<320000xi32, #tpu.memory_space<hbm>> -> memref<80xi32, #tpu.memory_space<hbm>>
      %dma_wait3A_177 = tpu.memref_slice %arg3[%mul3A_2] : memref<320000xi32, #tpu.memory_space<hbm>> -> memref<80xi32, #tpu.memory_space<hbm>>
      tpu.wait_dma2 semaphore(%arg21 : memref<!tpu.dma_semaphore, #tpu.memory_space<semaphore_mem>>) src(%dma_wait3A_177 : memref<80xi32, #tpu.memory_space<hbm>>) dst(%arg8 : memref<80xi32, #tpu.memory_space<vmem>>)
      %dma_wait3A_178 = tpu.memref_slice %arg4[%mul3A_2] : memref<320000xi32, #tpu.memory_space<hbm>> -> memref<80xi32, #tpu.memory_space<hbm>>
      %dma_wait3A_179 = tpu.memref_slice %arg4[%mul3A_2] : memref<320000xi32, #tpu.memory_space<hbm>> -> memref<80xi32, #tpu.memory_space<hbm>>
      tpu.wait_dma2 semaphore(%arg21 : memref<!tpu.dma_semaphore, #tpu.memory_space<semaphore_mem>>) src(%dma_wait3A_179 : memref<80xi32, #tpu.memory_space<hbm>>) dst(%arg12 : memref<80xi32, #tpu.memory_space<vmem>>)
      %dma_start3A_180 = arith.constant 0 : i32
      %dma_start3A_181 = arith.constant 0 : i32
      %dma_start3A_182 = tpu.memref_slice %arg2[%dma_start3A_180, %dma_start3A_181] : memref<10000x128xf32, #tpu.memory_space<hbm>> -> memref<10000x128xf32, #tpu.memory_space<hbm>>
      tpu.enqueue_indirect_dma source(%dma_start3A_182 : memref<10000x128xf32, #tpu.memory_space<hbm>>) target(%arg16 : memref<80x128xf32, #tpu.memory_space<vmem>>) offsets(%arg8 : memref<80xi32, #tpu.memory_space<vmem>>) semaphore(%arg25 : memref<!tpu.dma_semaphore, #tpu.memory_space<semaphore_mem>>)
      %dma_wait3A_183 = arith.constant 0 : i32
      %dma_wait3A_184 = arith.constant 0 : i32
      %dma_wait3A_185 = tpu.memref_slice %arg18[%dma_wait3A_183, %dma_wait3A_184] : memref<10240x128xf32, #tpu.memory_space<vmem_shared>> -> memref<10240x128xf32, #tpu.memory_space<vmem_shared>>
      tpu.wait_indirect_dma semaphore(%arg27 : memref<!tpu.dma_semaphore, #tpu.memory_space<semaphore_mem>>) src(%arg14 : memref<80x128xf32, #tpu.memory_space<vmem>>) dst(%dma_wait3A_185 : memref<10240x128xf32, #tpu.memory_space<vmem_shared>>)
      %add3A_186 = arith.constant 4 : i32
      %add3A_187 = arith.addi %add3A_169, %add3A_186 : i32
      %mul3A_188 = arith.constant 80 : i32
      %mul3A_189 = arith.muli %add3A_187, %mul3A_188 : i32
      %add3A_190 = arith.addi %mul3A_2, %mul3A_189 : i32
      %dma_start3A_191 = tpu.memref_slice %arg3[%add3A_190] : memref<320000xi32, #tpu.memory_space<hbm>> -> memref<80xi32, #tpu.memory_space<hbm>>
      %dma_start3A_192 = tpu.memref_slice %arg3[%add3A_190] : memref<320000xi32, #tpu.memory_space<hbm>> -> memref<80xi32, #tpu.memory_space<hbm>>
      tpu.enqueue_dma source(%dma_start3A_192 : memref<80xi32, #tpu.memory_space<hbm>>) target(%arg6 : memref<80xi32, #tpu.memory_space<vmem>>) target_semaphore(%arg19 : memref<!tpu.dma_semaphore, #tpu.memory_space<semaphore_mem>>)
      %dma_start3A_193 = tpu.memref_slice %arg4[%add3A_190] : memref<320000xi32, #tpu.memory_space<hbm>> -> memref<80xi32, #tpu.memory_space<hbm>>
      %dma_start3A_194 = tpu.memref_slice %arg4[%add3A_190] : memref<320000xi32, #tpu.memory_space<hbm>> -> memref<80xi32, #tpu.memory_space<hbm>>
      tpu.enqueue_dma source(%dma_start3A_194 : memref<80xi32, #tpu.memory_space<hbm>>) target(%arg10 : memref<80xi32, #tpu.memory_space<vmem>>) target_semaphore(%arg19 : memref<!tpu.dma_semaphore, #tpu.memory_space<semaphore_mem>>)
      %mul3A_195 = arith.constant 4 : i32
      %mul3A_196 = arith.muli %scan3A_164, %mul3A_195 : i32
      %add3A_197 = arith.constant 1 : i32
      %add3A_198 = arith.addi %mul3A_196, %add3A_197 : i32
      %dma_wait3A_199 = arith.constant 0 : i32
      %dma_wait3A_200 = arith.constant 0 : i32
      %dma_wait3A_201 = tpu.memref_slice %arg2[%dma_wait3A_199, %dma_wait3A_200] : memref<10000x128xf32, #tpu.memory_space<hbm>> -> memref<10000x128xf32, #tpu.memory_space<hbm>>
      tpu.wait_indirect_dma semaphore(%arg24 : memref<!tpu.dma_semaphore, #tpu.memory_space<semaphore_mem>>) src(%dma_wait3A_201 : memref<10000x128xf32, #tpu.memory_space<hbm>>) dst(%arg15 : memref<80x128xf32, #tpu.memory_space<vmem>>)
      %dma_start3A_202 = arith.constant 0 : i32
      %dma_start3A_203 = arith.constant 0 : i32
      %dma_start3A_204 = tpu.memref_slice %arg18[%dma_start3A_202, %dma_start3A_203] : memref<10240x128xf32, #tpu.memory_space<vmem_shared>> -> memref<10240x128xf32, #tpu.memory_space<vmem_shared>>
      tpu.enqueue_indirect_dma source(%arg15 : memref<80x128xf32, #tpu.memory_space<vmem>>) target(%dma_start3A_204 : memref<10240x128xf32, #tpu.memory_space<vmem_shared>>) offsets(%arg11 : memref<80xi32, #tpu.memory_space<vmem>>) semaphore(%arg28 : memref<!tpu.dma_semaphore, #tpu.memory_space<semaphore_mem>>)
      %dma_wait3A_205 = tpu.memref_slice %arg3[%mul3A_2] : memref<320000xi32, #tpu.memory_space<hbm>> -> memref<80xi32, #tpu.memory_space<hbm>>
      %dma_wait3A_206 = tpu.memref_slice %arg3[%mul3A_2] : memref<320000xi32, #tpu.memory_space<hbm>> -> memref<80xi32, #tpu.memory_space<hbm>>
      tpu.wait_dma2 semaphore(%arg22 : memref<!tpu.dma_semaphore, #tpu.memory_space<semaphore_mem>>) src(%dma_wait3A_206 : memref<80xi32, #tpu.memory_space<hbm>>) dst(%arg9 : memref<80xi32, #tpu.memory_space<vmem>>)
      %dma_wait3A_207 = tpu.memref_slice %arg4[%mul3A_2] : memref<320000xi32, #tpu.memory_space<hbm>> -> memref<80xi32, #tpu.memory_space<hbm>>
      %dma_wait3A_208 = tpu.memref_slice %arg4[%mul3A_2] : memref<320000xi32, #tpu.memory_space<hbm>> -> memref<80xi32, #tpu.memory_space<hbm>>
      tpu.wait_dma2 semaphore(%arg22 : memref<!tpu.dma_semaphore, #tpu.memory_space<semaphore_mem>>) src(%dma_wait3A_208 : memref<80xi32, #tpu.memory_space<hbm>>) dst(%arg13 : memref<80xi32, #tpu.memory_space<vmem>>)
      %dma_start3A_209 = arith.constant 0 : i32
      %dma_start3A_210 = arith.constant 0 : i32
      %dma_start3A_211 = tpu.memref_slice %arg2[%dma_start3A_209, %dma_start3A_210] : memref<10000x128xf32, #tpu.memory_space<hbm>> -> memref<10000x128xf32, #tpu.memory_space<hbm>>
      tpu.enqueue_indirect_dma source(%dma_start3A_211 : memref<10000x128xf32, #tpu.memory_space<hbm>>) target(%arg17 : memref<80x128xf32, #tpu.memory_space<vmem>>) offsets(%arg9 : memref<80xi32, #tpu.memory_space<vmem>>) semaphore(%arg26 : memref<!tpu.dma_semaphore, #tpu.memory_space<semaphore_mem>>)
      %dma_wait3A_212 = arith.constant 0 : i32
      %dma_wait3A_213 = arith.constant 0 : i32
      %dma_wait3A_214 = tpu.memref_slice %arg18[%dma_wait3A_212, %dma_wait3A_213] : memref<10240x128xf32, #tpu.memory_space<vmem_shared>> -> memref<10240x128xf32, #tpu.memory_space<vmem_shared>>
      tpu.wait_indirect_dma semaphore(%arg28 : memref<!tpu.dma_semaphore, #tpu.memory_space<semaphore_mem>>) src(%arg15 : memref<80x128xf32, #tpu.memory_space<vmem>>) dst(%dma_wait3A_214 : memref<10240x128xf32, #tpu.memory_space<vmem_shared>>)
      %add3A_215 = arith.constant 4 : i32
      %add3A_216 = arith.addi %add3A_198, %add3A_215 : i32
      %mul3A_217 = arith.constant 80 : i32
      %mul3A_218 = arith.muli %add3A_216, %mul3A_217 : i32
      %add3A_219 = arith.addi %mul3A_2, %mul3A_218 : i32
      %dma_start3A_220 = tpu.memref_slice %arg3[%add3A_219] : memref<320000xi32, #tpu.memory_space<hbm>> -> memref<80xi32, #tpu.memory_space<hbm>>
      %dma_start3A_221 = tpu.memref_slice %arg3[%add3A_219] : memref<320000xi32, #tpu.memory_space<hbm>> -> memref<80xi32, #tpu.memory_space<hbm>>
      tpu.enqueue_dma source(%dma_start3A_221 : memref<80xi32, #tpu.memory_space<hbm>>) target(%arg7 : memref<80xi32, #tpu.memory_space<vmem>>) target_semaphore(%arg20 : memref<!tpu.dma_semaphore, #tpu.memory_space<semaphore_mem>>)
      %dma_start3A_222 = tpu.memref_slice %arg4[%add3A_219] : memref<320000xi32, #tpu.memory_space<hbm>> -> memref<80xi32, #tpu.memory_space<hbm>>
      %dma_start3A_223 = tpu.memref_slice %arg4[%add3A_219] : memref<320000xi32, #tpu.memory_space<hbm>> -> memref<80xi32, #tpu.memory_space<hbm>>
      tpu.enqueue_dma source(%dma_start3A_223 : memref<80xi32, #tpu.memory_space<hbm>>) target(%arg11 : memref<80xi32, #tpu.memory_space<vmem>>) target_semaphore(%arg20 : memref<!tpu.dma_semaphore, #tpu.memory_space<semaphore_mem>>)
      %mul3A_224 = arith.constant 4 : i32
      %mul3A_225 = arith.muli %scan3A_164, %mul3A_224 : i32
      %add3A_226 = arith.constant 2 : i32
      %add3A_227 = arith.addi %mul3A_225, %add3A_226 : i32
      %dma_wait3A_228 = arith.constant 0 : i32
      %dma_wait3A_229 = arith.constant 0 : i32
      %dma_wait3A_230 = tpu.memref_slice %arg2[%dma_wait3A_228, %dma_wait3A_229] : memref<10000x128xf32, #tpu.memory_space<hbm>> -> memref<10000x128xf32, #tpu.memory_space<hbm>>
      tpu.wait_indirect_dma semaphore(%arg25 : memref<!tpu.dma_semaphore, #tpu.memory_space<semaphore_mem>>) src(%dma_wait3A_230 : memref<10000x128xf32, #tpu.memory_space<hbm>>) dst(%arg16 : memref<80x128xf32, #tpu.memory_space<vmem>>)
      %dma_start3A_231 = arith.constant 0 : i32
      %dma_start3A_232 = arith.constant 0 : i32
      %dma_start3A_233 = tpu.memref_slice %arg18[%dma_start3A_231, %dma_start3A_232] : memref<10240x128xf32, #tpu.memory_space<vmem_shared>> -> memref<10240x128xf32, #tpu.memory_space<vmem_shared>>
      tpu.enqueue_indirect_dma source(%arg16 : memref<80x128xf32, #tpu.memory_space<vmem>>) target(%dma_start3A_233 : memref<10240x128xf32, #tpu.memory_space<vmem_shared>>) offsets(%arg12 : memref<80xi32, #tpu.memory_space<vmem>>) semaphore(%arg29 : memref<!tpu.dma_semaphore, #tpu.memory_space<semaphore_mem>>)
      %dma_wait3A_234 = tpu.memref_slice %arg3[%mul3A_2] : memref<320000xi32, #tpu.memory_space<hbm>> -> memref<80xi32, #tpu.memory_space<hbm>>
      %dma_wait3A_235 = tpu.memref_slice %arg3[%mul3A_2] : memref<320000xi32, #tpu.memory_space<hbm>> -> memref<80xi32, #tpu.memory_space<hbm>>
      tpu.wait_dma2 semaphore(%arg19 : memref<!tpu.dma_semaphore, #tpu.memory_space<semaphore_mem>>) src(%dma_wait3A_235 : memref<80xi32, #tpu.memory_space<hbm>>) dst(%arg6 : memref<80xi32, #tpu.memory_space<vmem>>)
      %dma_wait3A_236 = tpu.memref_slice %arg4[%mul3A_2] : memref<320000xi32, #tpu.memory_space<hbm>> -> memref<80xi32, #tpu.memory_space<hbm>>
      %dma_wait3A_237 = tpu.memref_slice %arg4[%mul3A_2] : memref<320000xi32, #tpu.memory_space<hbm>> -> memref<80xi32, #tpu.memory_space<hbm>>
      tpu.wait_dma2 semaphore(%arg19 : memref<!tpu.dma_semaphore, #tpu.memory_space<semaphore_mem>>) src(%dma_wait3A_237 : memref<80xi32, #tpu.memory_space<hbm>>) dst(%arg10 : memref<80xi32, #tpu.memory_space<vmem>>)
      %dma_start3A_238 = arith.constant 0 : i32
      %dma_start3A_239 = arith.constant 0 : i32
      %dma_start3A_240 = tpu.memref_slice %arg2[%dma_start3A_238, %dma_start3A_239] : memref<10000x128xf32, #tpu.memory_space<hbm>> -> memref<10000x128xf32, #tpu.memory_space<hbm>>
      tpu.enqueue_indirect_dma source(%dma_start3A_240 : memref<10000x128xf32, #tpu.memory_space<hbm>>) target(%arg14 : memref<80x128xf32, #tpu.memory_space<vmem>>) offsets(%arg6 : memref<80xi32, #tpu.memory_space<vmem>>) semaphore(%arg23 : memref<!tpu.dma_semaphore, #tpu.memory_space<semaphore_mem>>)
      %dma_wait3A_241 = arith.constant 0 : i32
      %dma_wait3A_242 = arith.constant 0 : i32
      %dma_wait3A_243 = tpu.memref_slice %arg18[%dma_wait3A_241, %dma_wait3A_242] : memref<10240x128xf32, #tpu.memory_space<vmem_shared>> -> memref<10240x128xf32, #tpu.memory_space<vmem_shared>>
      tpu.wait_indirect_dma semaphore(%arg29 : memref<!tpu.dma_semaphore, #tpu.memory_space<semaphore_mem>>) src(%arg16 : memref<80x128xf32, #tpu.memory_space<vmem>>) dst(%dma_wait3A_243 : memref<10240x128xf32, #tpu.memory_space<vmem_shared>>)
      %add3A_244 = arith.constant 4 : i32
      %add3A_245 = arith.addi %add3A_227, %add3A_244 : i32
      %mul3A_246 = arith.constant 80 : i32
      %mul3A_247 = arith.muli %add3A_245, %mul3A_246 : i32
      %add3A_248 = arith.addi %mul3A_2, %mul3A_247 : i32
      %dma_start3A_249 = tpu.memref_slice %arg3[%add3A_248] : memref<320000xi32, #tpu.memory_space<hbm>> -> memref<80xi32, #tpu.memory_space<hbm>>
      %dma_start3A_250 = tpu.memref_slice %arg3[%add3A_248] : memref<320000xi32, #tpu.memory_space<hbm>> -> memref<80xi32, #tpu.memory_space<hbm>>
      tpu.enqueue_dma source(%dma_start3A_250 : memref<80xi32, #tpu.memory_space<hbm>>) target(%arg8 : memref<80xi32, #tpu.memory_space<vmem>>) target_semaphore(%arg21 : memref<!tpu.dma_semaphore, #tpu.memory_space<semaphore_mem>>)
      %dma_start3A_251 = tpu.memref_slice %arg4[%add3A_248] : memref<320000xi32, #tpu.memory_space<hbm>> -> memref<80xi32, #tpu.memory_space<hbm>>
      %dma_start3A_252 = tpu.memref_slice %arg4[%add3A_248] : memref<320000xi32, #tpu.memory_space<hbm>> -> memref<80xi32, #tpu.memory_space<hbm>>
      tpu.enqueue_dma source(%dma_start3A_252 : memref<80xi32, #tpu.memory_space<hbm>>) target(%arg12 : memref<80xi32, #tpu.memory_space<vmem>>) target_semaphore(%arg21 : memref<!tpu.dma_semaphore, #tpu.memory_space<semaphore_mem>>)
      %mul3A_253 = arith.constant 4 : i32
      %mul3A_254 = arith.muli %scan3A_164, %mul3A_253 : i32
      %add3A_255 = arith.constant 3 : i32
      %add3A_256 = arith.addi %mul3A_254, %add3A_255 : i32
      %dma_wait3A_257 = arith.constant 0 : i32
      %dma_wait3A_258 = arith.constant 0 : i32
      %dma_wait3A_259 = tpu.memref_slice %arg2[%dma_wait3A_257, %dma_wait3A_258] : memref<10000x128xf32, #tpu.memory_space<hbm>> -> memref<10000x128xf32, #tpu.memory_space<hbm>>
      tpu.wait_indirect_dma semaphore(%arg26 : memref<!tpu.dma_semaphore, #tpu.memory_space<semaphore_mem>>) src(%dma_wait3A_259 : memref<10000x128xf32, #tpu.memory_space<hbm>>) dst(%arg17 : memref<80x128xf32, #tpu.memory_space<vmem>>)
      %dma_start3A_260 = arith.constant 0 : i32
      %dma_start3A_261 = arith.constant 0 : i32
      %dma_start3A_262 = tpu.memref_slice %arg18[%dma_start3A_260, %dma_start3A_261] : memref<10240x128xf32, #tpu.memory_space<vmem_shared>> -> memref<10240x128xf32, #tpu.memory_space<vmem_shared>>
      tpu.enqueue_indirect_dma source(%arg17 : memref<80x128xf32, #tpu.memory_space<vmem>>) target(%dma_start3A_262 : memref<10240x128xf32, #tpu.memory_space<vmem_shared>>) offsets(%arg13 : memref<80xi32, #tpu.memory_space<vmem>>) semaphore(%arg30 : memref<!tpu.dma_semaphore, #tpu.memory_space<semaphore_mem>>)
      %dma_wait3A_263 = tpu.memref_slice %arg3[%mul3A_2] : memref<320000xi32, #tpu.memory_space<hbm>> -> memref<80xi32, #tpu.memory_space<hbm>>
      %dma_wait3A_264 = tpu.memref_slice %arg3[%mul3A_2] : memref<320000xi32, #tpu.memory_space<hbm>> -> memref<80xi32, #tpu.memory_space<hbm>>
      tpu.wait_dma2 semaphore(%arg20 : memref<!tpu.dma_semaphore, #tpu.memory_space<semaphore_mem>>) src(%dma_wait3A_264 : memref<80xi32, #tpu.memory_space<hbm>>) dst(%arg7 : memref<80xi32, #tpu.memory_space<vmem>>)
      %dma_wait3A_265 = tpu.memref_slice %arg4[%mul3A_2] : memref<320000xi32, #tpu.memory_space<hbm>> -> memref<80xi32, #tpu.memory_space<hbm>>
      %dma_wait3A_266 = tpu.memref_slice %arg4[%mul3A_2] : memref<320000xi32, #tpu.memory_space<hbm>> -> memref<80xi32, #tpu.memory_space<hbm>>
      tpu.wait_dma2 semaphore(%arg20 : memref<!tpu.dma_semaphore, #tpu.memory_space<semaphore_mem>>) src(%dma_wait3A_266 : memref<80xi32, #tpu.memory_space<hbm>>) dst(%arg11 : memref<80xi32, #tpu.memory_space<vmem>>)
      %dma_start3A_267 = arith.constant 0 : i32
      %dma_start3A_268 = arith.constant 0 : i32
      %dma_start3A_269 = tpu.memref_slice %arg2[%dma_start3A_267, %dma_start3A_268] : memref<10000x128xf32, #tpu.memory_space<hbm>> -> memref<10000x128xf32, #tpu.memory_space<hbm>>
      tpu.enqueue_indirect_dma source(%dma_start3A_269 : memref<10000x128xf32, #tpu.memory_space<hbm>>) target(%arg15 : memref<80x128xf32, #tpu.memory_space<vmem>>) offsets(%arg7 : memref<80xi32, #tpu.memory_space<vmem>>) semaphore(%arg24 : memref<!tpu.dma_semaphore, #tpu.memory_space<semaphore_mem>>)
      %dma_wait3A_270 = arith.constant 0 : i32
      %dma_wait3A_271 = arith.constant 0 : i32
      %dma_wait3A_272 = tpu.memref_slice %arg18[%dma_wait3A_270, %dma_wait3A_271] : memref<10240x128xf32, #tpu.memory_space<vmem_shared>> -> memref<10240x128xf32, #tpu.memory_space<vmem_shared>>
      tpu.wait_indirect_dma semaphore(%arg30 : memref<!tpu.dma_semaphore, #tpu.memory_space<semaphore_mem>>) src(%arg17 : memref<80x128xf32, #tpu.memory_space<vmem>>) dst(%dma_wait3A_272 : memref<10240x128xf32, #tpu.memory_space<vmem_shared>>)
      %add3A_273 = arith.constant 4 : i32
      %add3A_274 = arith.addi %add3A_256, %add3A_273 : i32
      %mul3A_275 = arith.constant 80 : i32
      %mul3A_276 = arith.muli %add3A_274, %mul3A_275 : i32
      %add3A_277 = arith.addi %mul3A_2, %mul3A_276 : i32
      %dma_start3A_278 = tpu.memref_slice %arg3[%add3A_277] : memref<320000xi32, #tpu.memory_space<hbm>> -> memref<80xi32, #tpu.memory_space<hbm>>
      %dma_start3A_279 = tpu.memref_slice %arg3[%add3A_277] : memref<320000xi32, #tpu.memory_space<hbm>> -> memref<80xi32, #tpu.memory_space<hbm>>
      tpu.enqueue_dma source(%dma_start3A_279 : memref<80xi32, #tpu.memory_space<hbm>>) target(%arg9 : memref<80xi32, #tpu.memory_space<vmem>>) target_semaphore(%arg22 : memref<!tpu.dma_semaphore, #tpu.memory_space<semaphore_mem>>)
      %dma_start3A_280 = tpu.memref_slice %arg4[%add3A_277] : memref<320000xi32, #tpu.memory_space<hbm>> -> memref<80xi32, #tpu.memory_space<hbm>>
      %dma_start3A_281 = tpu.memref_slice %arg4[%add3A_277] : memref<320000xi32, #tpu.memory_space<hbm>> -> memref<80xi32, #tpu.memory_space<hbm>>
      tpu.enqueue_dma source(%dma_start3A_281 : memref<80xi32, #tpu.memory_space<hbm>>) target(%arg13 : memref<80xi32, #tpu.memory_space<vmem>>) target_semaphore(%arg22 : memref<!tpu.dma_semaphore, #tpu.memory_space<semaphore_mem>>)
      %scan3A_282 = arith.constant 0 : i32
      scf.yield %scan3A_282 : i32
    }
    %scan3A_83 = arith.constant 30 : i32
    %dma_wait3A_84 = arith.constant 0 : i32
    %dma_wait3A_85 = arith.constant 0 : i32
    %dma_wait3A_86 = tpu.memref_slice %arg2[%dma_wait3A_84, %dma_wait3A_85] : memref<10000x128xf32, #tpu.memory_space<hbm>> -> memref<10000x128xf32, #tpu.memory_space<hbm>>
    tpu.wait_indirect_dma semaphore(%arg23 : memref<!tpu.dma_semaphore, #tpu.memory_space<semaphore_mem>>) src(%dma_wait3A_86 : memref<10000x128xf32, #tpu.memory_space<hbm>>) dst(%arg14 : memref<80x128xf32, #tpu.memory_space<vmem>>)
    %dma_start3A_87 = arith.constant 0 : i32
    %dma_start3A_88 = arith.constant 0 : i32
    %dma_start3A_89 = tpu.memref_slice %arg18[%dma_start3A_87, %dma_start3A_88] : memref<10240x128xf32, #tpu.memory_space<vmem_shared>> -> memref<10240x128xf32, #tpu.memory_space<vmem_shared>>
    tpu.enqueue_indirect_dma source(%arg14 : memref<80x128xf32, #tpu.memory_space<vmem>>) target(%dma_start3A_89 : memref<10240x128xf32, #tpu.memory_space<vmem_shared>>) offsets(%arg10 : memref<80xi32, #tpu.memory_space<vmem>>) semaphore(%arg27 : memref<!tpu.dma_semaphore, #tpu.memory_space<semaphore_mem>>)
    %dma_wait3A_90 = tpu.memref_slice %arg3[%mul3A_2] : memref<320000xi32, #tpu.memory_space<hbm>> -> memref<80xi32, #tpu.memory_space<hbm>>
    %dma_wait3A_91 = tpu.memref_slice %arg3[%mul3A_2] : memref<320000xi32, #tpu.memory_space<hbm>> -> memref<80xi32, #tpu.memory_space<hbm>>
    tpu.wait_dma2 semaphore(%arg21 : memref<!tpu.dma_semaphore, #tpu.memory_space<semaphore_mem>>) src(%dma_wait3A_91 : memref<80xi32, #tpu.memory_space<hbm>>) dst(%arg8 : memref<80xi32, #tpu.memory_space<vmem>>)
    %dma_wait3A_92 = tpu.memref_slice %arg4[%mul3A_2] : memref<320000xi32, #tpu.memory_space<hbm>> -> memref<80xi32, #tpu.memory_space<hbm>>
    %dma_wait3A_93 = tpu.memref_slice %arg4[%mul3A_2] : memref<320000xi32, #tpu.memory_space<hbm>> -> memref<80xi32, #tpu.memory_space<hbm>>
    tpu.wait_dma2 semaphore(%arg21 : memref<!tpu.dma_semaphore, #tpu.memory_space<semaphore_mem>>) src(%dma_wait3A_93 : memref<80xi32, #tpu.memory_space<hbm>>) dst(%arg12 : memref<80xi32, #tpu.memory_space<vmem>>)
    %dma_start3A_94 = arith.constant 0 : i32
    %dma_start3A_95 = arith.constant 0 : i32
    %dma_start3A_96 = tpu.memref_slice %arg2[%dma_start3A_94, %dma_start3A_95] : memref<10000x128xf32, #tpu.memory_space<hbm>> -> memref<10000x128xf32, #tpu.memory_space<hbm>>
    tpu.enqueue_indirect_dma source(%dma_start3A_96 : memref<10000x128xf32, #tpu.memory_space<hbm>>) target(%arg16 : memref<80x128xf32, #tpu.memory_space<vmem>>) offsets(%arg8 : memref<80xi32, #tpu.memory_space<vmem>>) semaphore(%arg25 : memref<!tpu.dma_semaphore, #tpu.memory_space<semaphore_mem>>)
    %dma_wait3A_97 = arith.constant 0 : i32
    %dma_wait3A_98 = arith.constant 0 : i32
    %dma_wait3A_99 = tpu.memref_slice %arg18[%dma_wait3A_97, %dma_wait3A_98] : memref<10240x128xf32, #tpu.memory_space<vmem_shared>> -> memref<10240x128xf32, #tpu.memory_space<vmem_shared>>
    tpu.wait_indirect_dma semaphore(%arg27 : memref<!tpu.dma_semaphore, #tpu.memory_space<semaphore_mem>>) src(%arg14 : memref<80x128xf32, #tpu.memory_space<vmem>>) dst(%dma_wait3A_99 : memref<10240x128xf32, #tpu.memory_space<vmem_shared>>)
    %add3A_100 = arith.constant 9920 : i32
    %add3A_101 = arith.addi %mul3A_2, %add3A_100 : i32
    %dma_start3A_102 = tpu.memref_slice %arg3[%add3A_101] : memref<320000xi32, #tpu.memory_space<hbm>> -> memref<80xi32, #tpu.memory_space<hbm>>
    %dma_start3A_103 = tpu.memref_slice %arg3[%add3A_101] : memref<320000xi32, #tpu.memory_space<hbm>> -> memref<80xi32, #tpu.memory_space<hbm>>
    tpu.enqueue_dma source(%dma_start3A_103 : memref<80xi32, #tpu.memory_space<hbm>>) target(%arg6 : memref<80xi32, #tpu.memory_space<vmem>>) target_semaphore(%arg19 : memref<!tpu.dma_semaphore, #tpu.memory_space<semaphore_mem>>)
    %dma_start3A_104 = tpu.memref_slice %arg4[%add3A_101] : memref<320000xi32, #tpu.memory_space<hbm>> -> memref<80xi32, #tpu.memory_space<hbm>>
    %dma_start3A_105 = tpu.memref_slice %arg4[%add3A_101] : memref<320000xi32, #tpu.memory_space<hbm>> -> memref<80xi32, #tpu.memory_space<hbm>>
    tpu.enqueue_dma source(%dma_start3A_105 : memref<80xi32, #tpu.memory_space<hbm>>) target(%arg10 : memref<80xi32, #tpu.memory_space<vmem>>) target_semaphore(%arg19 : memref<!tpu.dma_semaphore, #tpu.memory_space<semaphore_mem>>)
    %dma_wait3A_106 = arith.constant 0 : i32
    %dma_wait3A_107 = arith.constant 0 : i32
    %dma_wait3A_108 = tpu.memref_slice %arg2[%dma_wait3A_106, %dma_wait3A_107] : memref<10000x128xf32, #tpu.memory_space<hbm>> -> memref<10000x128xf32, #tpu.memory_space<hbm>>
    tpu.wait_indirect_dma semaphore(%arg24 : memref<!tpu.dma_semaphore, #tpu.memory_space<semaphore_mem>>) src(%dma_wait3A_108 : memref<10000x128xf32, #tpu.memory_space<hbm>>) dst(%arg15 : memref<80x128xf32, #tpu.memory_space<vmem>>)
    %dma_start3A_109 = arith.constant 0 : i32
    %dma_start3A_110 = arith.constant 0 : i32
    %dma_start3A_111 = tpu.memref_slice %arg18[%dma_start3A_109, %dma_start3A_110] : memref<10240x128xf32, #tpu.memory_space<vmem_shared>> -> memref<10240x128xf32, #tpu.memory_space<vmem_shared>>
    tpu.enqueue_indirect_dma source(%arg15 : memref<80x128xf32, #tpu.memory_space<vmem>>) target(%dma_start3A_111 : memref<10240x128xf32, #tpu.memory_space<vmem_shared>>) offsets(%arg11 : memref<80xi32, #tpu.memory_space<vmem>>) semaphore(%arg28 : memref<!tpu.dma_semaphore, #tpu.memory_space<semaphore_mem>>)
    %dma_wait3A_112 = tpu.memref_slice %arg3[%mul3A_2] : memref<320000xi32, #tpu.memory_space<hbm>> -> memref<80xi32, #tpu.memory_space<hbm>>
    %dma_wait3A_113 = tpu.memref_slice %arg3[%mul3A_2] : memref<320000xi32, #tpu.memory_space<hbm>> -> memref<80xi32, #tpu.memory_space<hbm>>
    tpu.wait_dma2 semaphore(%arg22 : memref<!tpu.dma_semaphore, #tpu.memory_space<semaphore_mem>>) src(%dma_wait3A_113 : memref<80xi32, #tpu.memory_space<hbm>>) dst(%arg9 : memref<80xi32, #tpu.memory_space<vmem>>)
    %dma_wait3A_114 = tpu.memref_slice %arg4[%mul3A_2] : memref<320000xi32, #tpu.memory_space<hbm>> -> memref<80xi32, #tpu.memory_space<hbm>>
    %dma_wait3A_115 = tpu.memref_slice %arg4[%mul3A_2] : memref<320000xi32, #tpu.memory_space<hbm>> -> memref<80xi32, #tpu.memory_space<hbm>>
    tpu.wait_dma2 semaphore(%arg22 : memref<!tpu.dma_semaphore, #tpu.memory_space<semaphore_mem>>) src(%dma_wait3A_115 : memref<80xi32, #tpu.memory_space<hbm>>) dst(%arg13 : memref<80xi32, #tpu.memory_space<vmem>>)
    %dma_start3A_116 = arith.constant 0 : i32
    %dma_start3A_117 = arith.constant 0 : i32
    %dma_start3A_118 = tpu.memref_slice %arg2[%dma_start3A_116, %dma_start3A_117] : memref<10000x128xf32, #tpu.memory_space<hbm>> -> memref<10000x128xf32, #tpu.memory_space<hbm>>
    tpu.enqueue_indirect_dma source(%dma_start3A_118 : memref<10000x128xf32, #tpu.memory_space<hbm>>) target(%arg17 : memref<80x128xf32, #tpu.memory_space<vmem>>) offsets(%arg9 : memref<80xi32, #tpu.memory_space<vmem>>) semaphore(%arg26 : memref<!tpu.dma_semaphore, #tpu.memory_space<semaphore_mem>>)
    %dma_wait3A_119 = arith.constant 0 : i32
    %dma_wait3A_120 = arith.constant 0 : i32
    %dma_wait3A_121 = tpu.memref_slice %arg18[%dma_wait3A_119, %dma_wait3A_120] : memref<10240x128xf32, #tpu.memory_space<vmem_shared>> -> memref<10240x128xf32, #tpu.memory_space<vmem_shared>>
    tpu.wait_indirect_dma semaphore(%arg28 : memref<!tpu.dma_semaphore, #tpu.memory_space<semaphore_mem>>) src(%arg15 : memref<80x128xf32, #tpu.memory_space<vmem>>) dst(%dma_wait3A_121 : memref<10240x128xf32, #tpu.memory_space<vmem_shared>>)
    %dma_wait3A_122 = arith.constant 0 : i32
    %dma_wait3A_123 = arith.constant 0 : i32
    %dma_wait3A_124 = tpu.memref_slice %arg2[%dma_wait3A_122, %dma_wait3A_123] : memref<10000x128xf32, #tpu.memory_space<hbm>> -> memref<10000x128xf32, #tpu.memory_space<hbm>>
    tpu.wait_indirect_dma semaphore(%arg25 : memref<!tpu.dma_semaphore, #tpu.memory_space<semaphore_mem>>) src(%dma_wait3A_124 : memref<10000x128xf32, #tpu.memory_space<hbm>>) dst(%arg16 : memref<80x128xf32, #tpu.memory_space<vmem>>)
    %dma_start3A_125 = arith.constant 0 : i32
    %dma_start3A_126 = arith.constant 0 : i32
    %dma_start3A_127 = tpu.memref_slice %arg18[%dma_start3A_125, %dma_start3A_126] : memref<10240x128xf32, #tpu.memory_space<vmem_shared>> -> memref<10240x128xf32, #tpu.memory_space<vmem_shared>>
    tpu.enqueue_indirect_dma source(%arg16 : memref<80x128xf32, #tpu.memory_space<vmem>>) target(%dma_start3A_127 : memref<10240x128xf32, #tpu.memory_space<vmem_shared>>) offsets(%arg12 : memref<80xi32, #tpu.memory_space<vmem>>) semaphore(%arg29 : memref<!tpu.dma_semaphore, #tpu.memory_space<semaphore_mem>>)
    %dma_wait3A_128 = tpu.memref_slice %arg3[%mul3A_2] : memref<320000xi32, #tpu.memory_space<hbm>> -> memref<80xi32, #tpu.memory_space<hbm>>
    %dma_wait3A_129 = tpu.memref_slice %arg3[%mul3A_2] : memref<320000xi32, #tpu.memory_space<hbm>> -> memref<80xi32, #tpu.memory_space<hbm>>
    tpu.wait_dma2 semaphore(%arg19 : memref<!tpu.dma_semaphore, #tpu.memory_space<semaphore_mem>>) src(%dma_wait3A_129 : memref<80xi32, #tpu.memory_space<hbm>>) dst(%arg6 : memref<80xi32, #tpu.memory_space<vmem>>)
    %dma_wait3A_130 = tpu.memref_slice %arg4[%mul3A_2] : memref<320000xi32, #tpu.memory_space<hbm>> -> memref<80xi32, #tpu.memory_space<hbm>>
    %dma_wait3A_131 = tpu.memref_slice %arg4[%mul3A_2] : memref<320000xi32, #tpu.memory_space<hbm>> -> memref<80xi32, #tpu.memory_space<hbm>>
    tpu.wait_dma2 semaphore(%arg19 : memref<!tpu.dma_semaphore, #tpu.memory_space<semaphore_mem>>) src(%dma_wait3A_131 : memref<80xi32, #tpu.memory_space<hbm>>) dst(%arg10 : memref<80xi32, #tpu.memory_space<vmem>>)
    %dma_start3A_132 = arith.constant 0 : i32
    %dma_start3A_133 = arith.constant 0 : i32
    %dma_start3A_134 = tpu.memref_slice %arg2[%dma_start3A_132, %dma_start3A_133] : memref<10000x128xf32, #tpu.memory_space<hbm>> -> memref<10000x128xf32, #tpu.memory_space<hbm>>
    tpu.enqueue_indirect_dma source(%dma_start3A_134 : memref<10000x128xf32, #tpu.memory_space<hbm>>) target(%arg14 : memref<80x128xf32, #tpu.memory_space<vmem>>) offsets(%arg6 : memref<80xi32, #tpu.memory_space<vmem>>) semaphore(%arg23 : memref<!tpu.dma_semaphore, #tpu.memory_space<semaphore_mem>>)
    %dma_wait3A_135 = arith.constant 0 : i32
    %dma_wait3A_136 = arith.constant 0 : i32
    %dma_wait3A_137 = tpu.memref_slice %arg18[%dma_wait3A_135, %dma_wait3A_136] : memref<10240x128xf32, #tpu.memory_space<vmem_shared>> -> memref<10240x128xf32, #tpu.memory_space<vmem_shared>>
    tpu.wait_indirect_dma semaphore(%arg29 : memref<!tpu.dma_semaphore, #tpu.memory_space<semaphore_mem>>) src(%arg16 : memref<80x128xf32, #tpu.memory_space<vmem>>) dst(%dma_wait3A_137 : memref<10240x128xf32, #tpu.memory_space<vmem_shared>>)
    %dma_wait3A_138 = arith.constant 0 : i32
    %dma_wait3A_139 = arith.constant 0 : i32
    %dma_wait3A_140 = tpu.memref_slice %arg2[%dma_wait3A_138, %dma_wait3A_139] : memref<10000x128xf32, #tpu.memory_space<hbm>> -> memref<10000x128xf32, #tpu.memory_space<hbm>>
    tpu.wait_indirect_dma semaphore(%arg26 : memref<!tpu.dma_semaphore, #tpu.memory_space<semaphore_mem>>) src(%dma_wait3A_140 : memref<10000x128xf32, #tpu.memory_space<hbm>>) dst(%arg17 : memref<80x128xf32, #tpu.memory_space<vmem>>)
    %dma_start3A_141 = arith.constant 0 : i32
    %dma_start3A_142 = arith.constant 0 : i32
    %dma_start3A_143 = tpu.memref_slice %arg18[%dma_start3A_141, %dma_start3A_142] : memref<10240x128xf32, #tpu.memory_space<vmem_shared>> -> memref<10240x128xf32, #tpu.memory_space<vmem_shared>>
    tpu.enqueue_indirect_dma source(%arg17 : memref<80x128xf32, #tpu.memory_space<vmem>>) target(%dma_start3A_143 : memref<10240x128xf32, #tpu.memory_space<vmem_shared>>) offsets(%arg13 : memref<80xi32, #tpu.memory_space<vmem>>) semaphore(%arg30 : memref<!tpu.dma_semaphore, #tpu.memory_space<semaphore_mem>>)
    %dma_wait3A_144 = arith.constant 0 : i32
    %dma_wait3A_145 = arith.constant 0 : i32
    %dma_wait3A_146 = tpu.memref_slice %arg18[%dma_wait3A_144, %dma_wait3A_145] : memref<10240x128xf32, #tpu.memory_space<vmem_shared>> -> memref<10240x128xf32, #tpu.memory_space<vmem_shared>>
    tpu.wait_indirect_dma semaphore(%arg30 : memref<!tpu.dma_semaphore, #tpu.memory_space<semaphore_mem>>) src(%arg17 : memref<80x128xf32, #tpu.memory_space<vmem>>) dst(%dma_wait3A_146 : memref<10240x128xf32, #tpu.memory_space<vmem_shared>>)
    %dma_wait3A_147 = arith.constant 0 : i32
    %dma_wait3A_148 = arith.constant 0 : i32
    %dma_wait3A_149 = tpu.memref_slice %arg2[%dma_wait3A_147, %dma_wait3A_148] : memref<10000x128xf32, #tpu.memory_space<hbm>> -> memref<10000x128xf32, #tpu.memory_space<hbm>>
    tpu.wait_indirect_dma semaphore(%arg23 : memref<!tpu.dma_semaphore, #tpu.memory_space<semaphore_mem>>) src(%dma_wait3A_149 : memref<10000x128xf32, #tpu.memory_space<hbm>>) dst(%arg14 : memref<80x128xf32, #tpu.memory_space<vmem>>)
    %dma_start3A_150 = arith.constant 0 : i32
    %dma_start3A_151 = arith.constant 0 : i32
    %dma_start3A_152 = tpu.memref_slice %arg18[%dma_start3A_150, %dma_start3A_151] : memref<10240x128xf32, #tpu.memory_space<vmem_shared>> -> memref<10240x128xf32, #tpu.memory_space<vmem_shared>>
    tpu.enqueue_indirect_dma source(%arg14 : memref<80x128xf32, #tpu.memory_space<vmem>>) target(%dma_start3A_152 : memref<10240x128xf32, #tpu.memory_space<vmem_shared>>) offsets(%arg10 : memref<80xi32, #tpu.memory_space<vmem>>) semaphore(%arg27 : memref<!tpu.dma_semaphore, #tpu.memory_space<semaphore_mem>>)
    %dma_wait3A_153 = arith.constant 0 : i32
    %dma_wait3A_154 = arith.constant 0 : i32
    %dma_wait3A_155 = tpu.memref_slice %arg18[%dma_wait3A_153, %dma_wait3A_154] : memref<10240x128xf32, #tpu.memory_space<vmem_shared>> -> memref<10240x128xf32, #tpu.memory_space<vmem_shared>>
    tpu.wait_indirect_dma semaphore(%arg27 : memref<!tpu.dma_semaphore, #tpu.memory_space<semaphore_mem>>) src(%arg14 : memref<80x128xf32, #tpu.memory_space<vmem>>) dst(%dma_wait3A_155 : memref<10240x128xf32, #tpu.memory_space<vmem_shared>>)
    %barrier3A_156 = arith.constant 0 : index
    tpu.barrier barrier_id(%barrier3A_156)
    %mul3A_157 = arith.constant 640 : i32
    %mul3A_158 = arith.muli %arg1, %mul3A_157 : i32
    %mul3A_159 = arith.constant 10240 : i32
    %mul3A_160 = arith.muli %arg0, %mul3A_159 : i32
    %mul3A_161 = arith.constant 640 : i32
    %mul3A_162 = arith.muli %arg1, %mul3A_161 : i32
    %add3A_163 = arith.addi %mul3A_160, %mul3A_162 : i32
    "tpu.region"() ({
      %run_scoped3A = tpu.sem_alloc : memref<!tpu.dma_semaphore, #tpu.memory_space<semaphore_mem>>
      %dma_start3A_164 = arith.constant 0 : i32
      %dma_start3A_165 = tpu.memref_slice %arg5[%add3A_163, %dma_start3A_164] : memref<20480x128xf32, #tpu.memory_space<hbm>> -> memref<640x128xf32, #tpu.memory_space<hbm>>
      %dma_start3A_166 = arith.constant 0 : i32
      %dma_start3A_167 = tpu.memref_slice %arg18[%mul3A_158, %dma_start3A_166] : memref<10240x128xf32, #tpu.memory_space<vmem_shared>> -> memref<640x128xf32, #tpu.memory_space<vmem_shared>>
      tpu.enqueue_dma source(%dma_start3A_167 : memref<640x128xf32, #tpu.memory_space<vmem_shared>>) target(%dma_start3A_165 : memref<640x128xf32, #tpu.memory_space<hbm>>) target_semaphore(%run_scoped3A : memref<!tpu.dma_semaphore, #tpu.memory_space<semaphore_mem>>)
      %dma_wait3A_168 = arith.constant 0 : i32
      %dma_wait3A_169 = tpu.memref_slice %arg5[%add3A_163, %dma_wait3A_168] : memref<20480x128xf32, #tpu.memory_space<hbm>> -> memref<640x128xf32, #tpu.memory_space<hbm>>
      %dma_wait3A_170 = arith.constant 0 : i32
      %dma_wait3A_171 = tpu.memref_slice %arg18[%mul3A_158, %dma_wait3A_170] : memref<10240x128xf32, #tpu.memory_space<vmem_shared>> -> memref<640x128xf32, #tpu.memory_space<vmem_shared>>
      tpu.wait_dma2 semaphore(%run_scoped3A : memref<!tpu.dma_semaphore, #tpu.memory_space<semaphore_mem>>) src(%dma_wait3A_171 : memref<640x128xf32, #tpu.memory_space<vmem_shared>>) dst(%dma_wait3A_169 : memref<640x128xf32, #tpu.memory_space<hbm>>)
      tpu.yield
    }) : () -> ()
    return
  }
}

#map = affine_map<(d0, d1) -> (0, 0, 0)>
#map1 = affine_map<(d0, d1) -> (0, 0)>
module attributes {stable_mosaic.version = 14 : i64} {
  func.func @_deg_kernel(%arg0: i32, %arg1: i32, %arg2: memref<32x80x125xi32, #tpu.memory_space<hbm>>, %arg3: memref<20480x16xf32, #tpu.memory_space<hbm>>, %arg4: memref<80x125xi32, #tpu.memory_space<vmem>>, %arg5: memref<125x16xf32, #tpu.memory_space<vmem>>, %arg6: memref<128x16xf32, #tpu.memory_space<vmem>>, %arg7: memref<10240x16xf32, #tpu.memory_space<vmem_shared>>, %arg8: memref<!tpu.dma_semaphore, #tpu.memory_space<semaphore_mem>>, %arg9: memref<!tpu.dma_semaphore, #tpu.memory_space<semaphore_mem>>, %arg10: memref<!tpu.dma_semaphore, #tpu.memory_space<semaphore_mem>>, %arg11: memref<!tpu.dma_semaphore, #tpu.memory_space<semaphore_mem>>, %arg12: memref<!tpu.dma_semaphore, #tpu.memory_space<semaphore_mem>>) attributes {dimension_semantics = [#tpu.dimension_semantics<core_parallel>, #tpu.dimension_semantics<subcore_parallel>], iteration_bounds = array<i64: 2, 16>, scalar_prefetch = 0 : i64, scratch_operands = 9 : i64, tpu.core_type = #tpu.core_type<sc_vector_subcore>, window_params = [{transform_indices = #map}, {transform_indices = #map1}]} {
    %mul3A = arith.constant 16 : i32
    %mul3A_0 = arith.muli %arg0, %mul3A : i32
    %add3A = arith.addi %mul3A_0, %arg1 : i32
    %dma_start3A = arith.constant 0 : i32
    %dma_start3A_1 = arith.constant 0 : i32
    %dma_start3A_2 = tpu.memref_slice %arg2[%add3A, %dma_start3A, %dma_start3A_1] : memref<32x80x125xi32, #tpu.memory_space<hbm>> -> memref<1x80x125xi32, #tpu.memory_space<hbm>>
    %dma_start3A_3 = tpu.memref_squeeze %dma_start3A_2 : memref<1x80x125xi32, #tpu.memory_space<hbm>> -> memref<80x125xi32, #tpu.memory_space<hbm>>
    %dma_start3A_4 = arith.constant 0 : i32
    %dma_start3A_5 = arith.constant 0 : i32
    %dma_start3A_6 = tpu.memref_slice %arg2[%add3A, %dma_start3A_4, %dma_start3A_5] : memref<32x80x125xi32, #tpu.memory_space<hbm>> -> memref<1x80x125xi32, #tpu.memory_space<hbm>>
    %dma_start3A_7 = tpu.memref_squeeze %dma_start3A_6 : memref<1x80x125xi32, #tpu.memory_space<hbm>> -> memref<80x125xi32, #tpu.memory_space<hbm>>
    tpu.enqueue_dma source(%dma_start3A_7 : memref<80x125xi32, #tpu.memory_space<hbm>>) target(%arg4 : memref<80x125xi32, #tpu.memory_space<vmem>>) target_semaphore(%arg12 : memref<!tpu.dma_semaphore, #tpu.memory_space<semaphore_mem>>)
    %scan3A = arith.constant 0 : i32
    %scan3A_8 = arith.constant 0 : i32
    %scan3A_9 = arith.constant 125 : i32
    %scan3A_10 = arith.addi %scan3A_8, %scan3A_9 : i32
    %scan3A_11 = arith.constant 1 : i32
    %scan3A_12 = scf.for %scan3A_119 = %scan3A_8 to %scan3A_10 step %scan3A_11 iter_args(%scan3A_120 = %scan3A) -> (i32)  : i32 {
      %broadcast_in_dim3A = arith.constant 1.000000e+00 : f32
      %broadcast_in_dim3A_121 = vector.broadcast %broadcast_in_dim3A : f32 to vector<16xf32>
      %swap3A = arith.index_cast %scan3A_119 : i32 to index
      %swap3A_122 = arith.constant 0 : index
      %swap3A_123 = tpu.vector_load %arg5[%swap3A, %swap3A_122] {strides = array<i32>} : memref<125x16xf32, #tpu.memory_space<vmem>>, vector<1x16xf32>,
      %swap3A_124 = vector.shape_cast %swap3A_123 : vector<1x16xf32> to vector<16xf32>
      %swap3A_125 = vector.shape_cast %broadcast_in_dim3A_121 : vector<16xf32> to vector<1x16xf32>
      tpu.vector_store %arg5[%swap3A, %swap3A_122], %swap3A_125 {strides = array<i32>} : memref<125x16xf32, #tpu.memory_space<vmem>>, vector<1x16xf32>,
      %scan3A_126 = arith.constant 0 : i32
      scf.yield %scan3A_126 : i32
    }
    %scan3A_13 = arith.constant 125 : i32
    %scan3A_14 = arith.constant 0 : i32
    %scan3A_15 = arith.constant 0 : i32
    %scan3A_16 = arith.constant 128 : i32
    %scan3A_17 = arith.addi %scan3A_15, %scan3A_16 : i32
    %scan3A_18 = arith.constant 1 : i32
    %scan3A_19 = scf.for %scan3A_119 = %scan3A_15 to %scan3A_17 step %scan3A_18 iter_args(%scan3A_120 = %scan3A_14) -> (i32)  : i32 {
      %broadcast_in_dim3A = arith.constant 0.000000e+00 : f32
      %broadcast_in_dim3A_121 = vector.broadcast %broadcast_in_dim3A : f32 to vector<16xf32>
      %swap3A = arith.index_cast %scan3A_119 : i32 to index
      %swap3A_122 = arith.constant 0 : index
      %swap3A_123 = tpu.vector_load %arg6[%swap3A, %swap3A_122] {strides = array<i32>} : memref<128x16xf32, #tpu.memory_space<vmem>>, vector<1x16xf32>,
      %swap3A_124 = vector.shape_cast %swap3A_123 : vector<1x16xf32> to vector<16xf32>
      %swap3A_125 = vector.shape_cast %broadcast_in_dim3A_121 : vector<16xf32> to vector<1x16xf32>
      tpu.vector_store %arg6[%swap3A, %swap3A_122], %swap3A_125 {strides = array<i32>} : memref<128x16xf32, #tpu.memory_space<vmem>>, vector<1x16xf32>,
      %scan3A_126 = arith.constant 0 : i32
      scf.yield %scan3A_126 : i32
    }
    %scan3A_20 = arith.constant 128 : i32
    %mul3A_21 = arith.constant 640 : i32
    %mul3A_22 = arith.muli %arg1, %mul3A_21 : i32
    %add3A_23 = arith.constant 0 : i32
    %add3A_24 = arith.addi %mul3A_22, %add3A_23 : i32
    "tpu.region"() ({
      %run_scoped3A = tpu.sem_alloc : memref<!tpu.dma_semaphore, #tpu.memory_space<semaphore_mem>>
      %dma_start3A_119 = arith.constant 0 : i32
      %dma_start3A_120 = tpu.memref_slice %arg7[%add3A_24, %dma_start3A_119] : memref<10240x16xf32, #tpu.memory_space<vmem_shared>> -> memref<128x16xf32, #tpu.memory_space<vmem_shared>>
      %dma_start3A_121 = arith.constant 0 : i32
      %dma_start3A_122 = tpu.memref_slice %arg7[%add3A_24, %dma_start3A_121] : memref<10240x16xf32, #tpu.memory_space<vmem_shared>> -> memref<128x16xf32, #tpu.memory_space<vmem_shared>>
      tpu.enqueue_dma source(%arg6 : memref<128x16xf32, #tpu.memory_space<vmem>>) target(%dma_start3A_122 : memref<128x16xf32, #tpu.memory_space<vmem_shared>>) target_semaphore(%run_scoped3A : memref<!tpu.dma_semaphore, #tpu.memory_space<semaphore_mem>>)
      %dma_wait3A_123 = arith.constant 0 : i32
      %dma_wait3A_124 = tpu.memref_slice %arg7[%add3A_24, %dma_wait3A_123] : memref<10240x16xf32, #tpu.memory_space<vmem_shared>> -> memref<128x16xf32, #tpu.memory_space<vmem_shared>>
      %dma_wait3A_125 = arith.constant 0 : i32
      %dma_wait3A_126 = tpu.memref_slice %arg7[%add3A_24, %dma_wait3A_125] : memref<10240x16xf32, #tpu.memory_space<vmem_shared>> -> memref<128x16xf32, #tpu.memory_space<vmem_shared>>
      tpu.wait_dma2 semaphore(%run_scoped3A : memref<!tpu.dma_semaphore, #tpu.memory_space<semaphore_mem>>) src(%arg6 : memref<128x16xf32, #tpu.memory_space<vmem>>) dst(%dma_wait3A_126 : memref<128x16xf32, #tpu.memory_space<vmem_shared>>)
      tpu.yield
    }) : () -> ()
    %mul3A_25 = arith.constant 640 : i32
    %mul3A_26 = arith.muli %arg1, %mul3A_25 : i32
    %add3A_27 = arith.constant 128 : i32
    %add3A_28 = arith.addi %mul3A_26, %add3A_27 : i32
    "tpu.region"() ({
      %run_scoped3A = tpu.sem_alloc : memref<!tpu.dma_semaphore, #tpu.memory_space<semaphore_mem>>
      %dma_start3A_119 = arith.constant 0 : i32
      %dma_start3A_120 = tpu.memref_slice %arg7[%add3A_28, %dma_start3A_119] : memref<10240x16xf32, #tpu.memory_space<vmem_shared>> -> memref<128x16xf32, #tpu.memory_space<vmem_shared>>
      %dma_start3A_121 = arith.constant 0 : i32
      %dma_start3A_122 = tpu.memref_slice %arg7[%add3A_28, %dma_start3A_121] : memref<10240x16xf32, #tpu.memory_space<vmem_shared>> -> memref<128x16xf32, #tpu.memory_space<vmem_shared>>
      tpu.enqueue_dma source(%arg6 : memref<128x16xf32, #tpu.memory_space<vmem>>) target(%dma_start3A_122 : memref<128x16xf32, #tpu.memory_space<vmem_shared>>) target_semaphore(%run_scoped3A : memref<!tpu.dma_semaphore, #tpu.memory_space<semaphore_mem>>)
      %dma_wait3A_123 = arith.constant 0 : i32
      %dma_wait3A_124 = tpu.memref_slice %arg7[%add3A_28, %dma_wait3A_123] : memref<10240x16xf32, #tpu.memory_space<vmem_shared>> -> memref<128x16xf32, #tpu.memory_space<vmem_shared>>
      %dma_wait3A_125 = arith.constant 0 : i32
      %dma_wait3A_126 = tpu.memref_slice %arg7[%add3A_28, %dma_wait3A_125] : memref<10240x16xf32, #tpu.memory_space<vmem_shared>> -> memref<128x16xf32, #tpu.memory_space<vmem_shared>>
      tpu.wait_dma2 semaphore(%run_scoped3A : memref<!tpu.dma_semaphore, #tpu.memory_space<semaphore_mem>>) src(%arg6 : memref<128x16xf32, #tpu.memory_space<vmem>>) dst(%dma_wait3A_126 : memref<128x16xf32, #tpu.memory_space<vmem_shared>>)
      tpu.yield
    }) : () -> ()
    %mul3A_29 = arith.constant 640 : i32
    %mul3A_30 = arith.muli %arg1, %mul3A_29 : i32
    %add3A_31 = arith.constant 256 : i32
    %add3A_32 = arith.addi %mul3A_30, %add3A_31 : i32
    "tpu.region"() ({
      %run_scoped3A = tpu.sem_alloc : memref<!tpu.dma_semaphore, #tpu.memory_space<semaphore_mem>>
      %dma_start3A_119 = arith.constant 0 : i32
      %dma_start3A_120 = tpu.memref_slice %arg7[%add3A_32, %dma_start3A_119] : memref<10240x16xf32, #tpu.memory_space<vmem_shared>> -> memref<128x16xf32, #tpu.memory_space<vmem_shared>>
      %dma_start3A_121 = arith.constant 0 : i32
      %dma_start3A_122 = tpu.memref_slice %arg7[%add3A_32, %dma_start3A_121] : memref<10240x16xf32, #tpu.memory_space<vmem_shared>> -> memref<128x16xf32, #tpu.memory_space<vmem_shared>>
      tpu.enqueue_dma source(%arg6 : memref<128x16xf32, #tpu.memory_space<vmem>>) target(%dma_start3A_122 : memref<128x16xf32, #tpu.memory_space<vmem_shared>>) target_semaphore(%run_scoped3A : memref<!tpu.dma_semaphore, #tpu.memory_space<semaphore_mem>>)
      %dma_wait3A_123 = arith.constant 0 : i32
      %dma_wait3A_124 = tpu.memref_slice %arg7[%add3A_32, %dma_wait3A_123] : memref<10240x16xf32, #tpu.memory_space<vmem_shared>> -> memref<128x16xf32, #tpu.memory_space<vmem_shared>>
      %dma_wait3A_125 = arith.constant 0 : i32
      %dma_wait3A_126 = tpu.memref_slice %arg7[%add3A_32, %dma_wait3A_125] : memref<10240x16xf32, #tpu.memory_space<vmem_shared>> -> memref<128x16xf32, #tpu.memory_space<vmem_shared>>
      tpu.wait_dma2 semaphore(%run_scoped3A : memref<!tpu.dma_semaphore, #tpu.memory_space<semaphore_mem>>) src(%arg6 : memref<128x16xf32, #tpu.memory_space<vmem>>) dst(%dma_wait3A_126 : memref<128x16xf32, #tpu.memory_space<vmem_shared>>)
      tpu.yield
    }) : () -> ()
    %mul3A_33 = arith.constant 640 : i32
    %mul3A_34 = arith.muli %arg1, %mul3A_33 : i32
    %add3A_35 = arith.constant 384 : i32
    %add3A_36 = arith.addi %mul3A_34, %add3A_35 : i32
    "tpu.region"() ({
      %run_scoped3A = tpu.sem_alloc : memref<!tpu.dma_semaphore, #tpu.memory_space<semaphore_mem>>
      %dma_start3A_119 = arith.constant 0 : i32
      %dma_start3A_120 = tpu.memref_slice %arg7[%add3A_36, %dma_start3A_119] : memref<10240x16xf32, #tpu.memory_space<vmem_shared>> -> memref<128x16xf32, #tpu.memory_space<vmem_shared>>
      %dma_start3A_121 = arith.constant 0 : i32
      %dma_start3A_122 = tpu.memref_slice %arg7[%add3A_36, %dma_start3A_121] : memref<10240x16xf32, #tpu.memory_space<vmem_shared>> -> memref<128x16xf32, #tpu.memory_space<vmem_shared>>
      tpu.enqueue_dma source(%arg6 : memref<128x16xf32, #tpu.memory_space<vmem>>) target(%dma_start3A_122 : memref<128x16xf32, #tpu.memory_space<vmem_shared>>) target_semaphore(%run_scoped3A : memref<!tpu.dma_semaphore, #tpu.memory_space<semaphore_mem>>)
      %dma_wait3A_123 = arith.constant 0 : i32
      %dma_wait3A_124 = tpu.memref_slice %arg7[%add3A_36, %dma_wait3A_123] : memref<10240x16xf32, #tpu.memory_space<vmem_shared>> -> memref<128x16xf32, #tpu.memory_space<vmem_shared>>
      %dma_wait3A_125 = arith.constant 0 : i32
      %dma_wait3A_126 = tpu.memref_slice %arg7[%add3A_36, %dma_wait3A_125] : memref<10240x16xf32, #tpu.memory_space<vmem_shared>> -> memref<128x16xf32, #tpu.memory_space<vmem_shared>>
      tpu.wait_dma2 semaphore(%run_scoped3A : memref<!tpu.dma_semaphore, #tpu.memory_space<semaphore_mem>>) src(%arg6 : memref<128x16xf32, #tpu.memory_space<vmem>>) dst(%dma_wait3A_126 : memref<128x16xf32, #tpu.memory_space<vmem_shared>>)
      tpu.yield
    }) : () -> ()
    %mul3A_37 = arith.constant 640 : i32
    %mul3A_38 = arith.muli %arg1, %mul3A_37 : i32
    %add3A_39 = arith.constant 512 : i32
    %add3A_40 = arith.addi %mul3A_38, %add3A_39 : i32
    "tpu.region"() ({
      %run_scoped3A = tpu.sem_alloc : memref<!tpu.dma_semaphore, #tpu.memory_space<semaphore_mem>>
      %dma_start3A_119 = arith.constant 0 : i32
      %dma_start3A_120 = tpu.memref_slice %arg7[%add3A_40, %dma_start3A_119] : memref<10240x16xf32, #tpu.memory_space<vmem_shared>> -> memref<128x16xf32, #tpu.memory_space<vmem_shared>>
      %dma_start3A_121 = arith.constant 0 : i32
      %dma_start3A_122 = tpu.memref_slice %arg7[%add3A_40, %dma_start3A_121] : memref<10240x16xf32, #tpu.memory_space<vmem_shared>> -> memref<128x16xf32, #tpu.memory_space<vmem_shared>>
      tpu.enqueue_dma source(%arg6 : memref<128x16xf32, #tpu.memory_space<vmem>>) target(%dma_start3A_122 : memref<128x16xf32, #tpu.memory_space<vmem_shared>>) target_semaphore(%run_scoped3A : memref<!tpu.dma_semaphore, #tpu.memory_space<semaphore_mem>>)
      %dma_wait3A_123 = arith.constant 0 : i32
      %dma_wait3A_124 = tpu.memref_slice %arg7[%add3A_40, %dma_wait3A_123] : memref<10240x16xf32, #tpu.memory_space<vmem_shared>> -> memref<128x16xf32, #tpu.memory_space<vmem_shared>>
      %dma_wait3A_125 = arith.constant 0 : i32
      %dma_wait3A_126 = tpu.memref_slice %arg7[%add3A_40, %dma_wait3A_125] : memref<10240x16xf32, #tpu.memory_space<vmem_shared>> -> memref<128x16xf32, #tpu.memory_space<vmem_shared>>
      tpu.wait_dma2 semaphore(%run_scoped3A : memref<!tpu.dma_semaphore, #tpu.memory_space<semaphore_mem>>) src(%arg6 : memref<128x16xf32, #tpu.memory_space<vmem>>) dst(%dma_wait3A_126 : memref<128x16xf32, #tpu.memory_space<vmem_shared>>)
      tpu.yield
    }) : () -> ()
    %dma_wait3A = arith.constant 0 : i32
    %dma_wait3A_41 = arith.constant 0 : i32
    %dma_wait3A_42 = tpu.memref_slice %arg2[%add3A, %dma_wait3A, %dma_wait3A_41] : memref<32x80x125xi32, #tpu.memory_space<hbm>> -> memref<1x80x125xi32, #tpu.memory_space<hbm>>
    %dma_wait3A_43 = tpu.memref_squeeze %dma_wait3A_42 : memref<1x80x125xi32, #tpu.memory_space<hbm>> -> memref<80x125xi32, #tpu.memory_space<hbm>>
    %dma_wait3A_44 = arith.constant 0 : i32
    %dma_wait3A_45 = arith.constant 0 : i32
    %dma_wait3A_46 = tpu.memref_slice %arg2[%add3A, %dma_wait3A_44, %dma_wait3A_45] : memref<32x80x125xi32, #tpu.memory_space<hbm>> -> memref<1x80x125xi32, #tpu.memory_space<hbm>>
    %dma_wait3A_47 = tpu.memref_squeeze %dma_wait3A_46 : memref<1x80x125xi32, #tpu.memory_space<hbm>> -> memref<80x125xi32, #tpu.memory_space<hbm>>
    tpu.wait_dma2 semaphore(%arg12 : memref<!tpu.dma_semaphore, #tpu.memory_space<semaphore_mem>>) src(%dma_wait3A_47 : memref<80x125xi32, #tpu.memory_space<hbm>>) dst(%arg4 : memref<80x125xi32, #tpu.memory_space<vmem>>)
    %barrier3A = arith.constant 0 : index
    tpu.barrier barrier_id(%barrier3A)
    %dma_start3A_48 = arith.constant 0 : i32
    %dma_start3A_49 = arith.constant 0 : i32
    %dma_start3A_50 = tpu.memref_slice %arg4[%dma_start3A_48, %dma_start3A_49] : memref<80x125xi32, #tpu.memory_space<vmem>> -> memref<1x125xi32, #tpu.memory_space<vmem>>
    %dma_start3A_51 = tpu.memref_squeeze %dma_start3A_50 : memref<1x125xi32, #tpu.memory_space<vmem>> -> memref<125xi32, #tpu.memory_space<vmem>>
    %dma_start3A_52 = arith.constant 0 : i32
    %dma_start3A_53 = arith.constant 0 : i32
    %dma_start3A_54 = tpu.memref_slice %arg7[%dma_start3A_52, %dma_start3A_53] : memref<10240x16xf32, #tpu.memory_space<vmem_shared>> -> memref<10240x16xf32, #tpu.memory_space<vmem_shared>>
    tpu.enqueue_indirect_dma source(%arg5 : memref<125x16xf32, #tpu.memory_space<vmem>>) target(%dma_start3A_54 : memref<10240x16xf32, #tpu.memory_space<vmem_shared>>) offsets(%dma_start3A_51 : memref<125xi32, #tpu.memory_space<vmem>>) semaphore(%arg8 : memref<!tpu.dma_semaphore, #tpu.memory_space<semaphore_mem>>)
    %dma_start3A_55 = arith.constant 1 : i32
    %dma_start3A_56 = arith.constant 0 : i32
    %dma_start3A_57 = tpu.memref_slice %arg4[%dma_start3A_55, %dma_start3A_56] : memref<80x125xi32, #tpu.memory_space<vmem>> -> memref<1x125xi32, #tpu.memory_space<vmem>>
    %dma_start3A_58 = tpu.memref_squeeze %dma_start3A_57 : memref<1x125xi32, #tpu.memory_space<vmem>> -> memref<125xi32, #tpu.memory_space<vmem>>
    %dma_start3A_59 = arith.constant 0 : i32
    %dma_start3A_60 = arith.constant 0 : i32
    %dma_start3A_61 = tpu.memref_slice %arg7[%dma_start3A_59, %dma_start3A_60] : memref<10240x16xf32, #tpu.memory_space<vmem_shared>> -> memref<10240x16xf32, #tpu.memory_space<vmem_shared>>
    tpu.enqueue_indirect_dma source(%arg5 : memref<125x16xf32, #tpu.memory_space<vmem>>) target(%dma_start3A_61 : memref<10240x16xf32, #tpu.memory_space<vmem_shared>>) offsets(%dma_start3A_58 : memref<125xi32, #tpu.memory_space<vmem>>) semaphore(%arg9 : memref<!tpu.dma_semaphore, #tpu.memory_space<semaphore_mem>>)
    %dma_start3A_62 = arith.constant 2 : i32
    %dma_start3A_63 = arith.constant 0 : i32
    %dma_start3A_64 = tpu.memref_slice %arg4[%dma_start3A_62, %dma_start3A_63] : memref<80x125xi32, #tpu.memory_space<vmem>> -> memref<1x125xi32, #tpu.memory_space<vmem>>
    %dma_start3A_65 = tpu.memref_squeeze %dma_start3A_64 : memref<1x125xi32, #tpu.memory_space<vmem>> -> memref<125xi32, #tpu.memory_space<vmem>>
    %dma_start3A_66 = arith.constant 0 : i32
    %dma_start3A_67 = arith.constant 0 : i32
    %dma_start3A_68 = tpu.memref_slice %arg7[%dma_start3A_66, %dma_start3A_67] : memref<10240x16xf32, #tpu.memory_space<vmem_shared>> -> memref<10240x16xf32, #tpu.memory_space<vmem_shared>>
    tpu.enqueue_indirect_dma source(%arg5 : memref<125x16xf32, #tpu.memory_space<vmem>>) target(%dma_start3A_68 : memref<10240x16xf32, #tpu.memory_space<vmem_shared>>) offsets(%dma_start3A_65 : memref<125xi32, #tpu.memory_space<vmem>>) semaphore(%arg10 : memref<!tpu.dma_semaphore, #tpu.memory_space<semaphore_mem>>)
    %dma_start3A_69 = arith.constant 3 : i32
    %dma_start3A_70 = arith.constant 0 : i32
    %dma_start3A_71 = tpu.memref_slice %arg4[%dma_start3A_69, %dma_start3A_70] : memref<80x125xi32, #tpu.memory_space<vmem>> -> memref<1x125xi32, #tpu.memory_space<vmem>>
    %dma_start3A_72 = tpu.memref_squeeze %dma_start3A_71 : memref<1x125xi32, #tpu.memory_space<vmem>> -> memref<125xi32, #tpu.memory_space<vmem>>
    %dma_start3A_73 = arith.constant 0 : i32
    %dma_start3A_74 = arith.constant 0 : i32
    %dma_start3A_75 = tpu.memref_slice %arg7[%dma_start3A_73, %dma_start3A_74] : memref<10240x16xf32, #tpu.memory_space<vmem_shared>> -> memref<10240x16xf32, #tpu.memory_space<vmem_shared>>
    tpu.enqueue_indirect_dma source(%arg5 : memref<125x16xf32, #tpu.memory_space<vmem>>) target(%dma_start3A_75 : memref<10240x16xf32, #tpu.memory_space<vmem_shared>>) offsets(%dma_start3A_72 : memref<125xi32, #tpu.memory_space<vmem>>) semaphore(%arg11 : memref<!tpu.dma_semaphore, #tpu.memory_space<semaphore_mem>>)
    %scan3A_76 = arith.constant 0 : i32
    %scan3A_77 = arith.constant 0 : i32
    %scan3A_78 = arith.constant 19 : i32
    %scan3A_79 = arith.addi %scan3A_77, %scan3A_78 : i32
    %scan3A_80 = arith.constant 1 : i32
    %scan3A_81 = scf.for %scan3A_119 = %scan3A_77 to %scan3A_79 step %scan3A_80 iter_args(%scan3A_120 = %scan3A_76) -> (i32)  : i32 {
      %dma_wait3A_121 = arith.constant 0 : i32
      %dma_wait3A_122 = arith.constant 0 : i32
      %dma_wait3A_123 = tpu.memref_slice %arg4[%dma_wait3A_121, %dma_wait3A_122] : memref<80x125xi32, #tpu.memory_space<vmem>> -> memref<1x125xi32, #tpu.memory_space<vmem>>
      %dma_wait3A_124 = tpu.memref_squeeze %dma_wait3A_123 : memref<1x125xi32, #tpu.memory_space<vmem>> -> memref<125xi32, #tpu.memory_space<vmem>>
      %dma_wait3A_125 = arith.constant 0 : i32
      %dma_wait3A_126 = arith.constant 0 : i32
      %dma_wait3A_127 = tpu.memref_slice %arg7[%dma_wait3A_125, %dma_wait3A_126] : memref<10240x16xf32, #tpu.memory_space<vmem_shared>> -> memref<10240x16xf32, #tpu.memory_space<vmem_shared>>
      tpu.wait_indirect_dma semaphore(%arg8 : memref<!tpu.dma_semaphore, #tpu.memory_space<semaphore_mem>>) src(%arg5 : memref<125x16xf32, #tpu.memory_space<vmem>>) dst(%dma_wait3A_127 : memref<10240x16xf32, #tpu.memory_space<vmem_shared>>)
      %add3A_128 = arith.constant 1 : i32
      %add3A_129 = arith.addi %scan3A_119, %add3A_128 : i32
      %mul3A_130 = arith.constant 4 : i32
      %mul3A_131 = arith.muli %add3A_129, %mul3A_130 : i32
      %add3A_132 = arith.constant 0 : i32
      %add3A_133 = arith.addi %mul3A_131, %add3A_132 : i32
      %dma_start3A_134 = arith.constant 0 : i32
      %dma_start3A_135 = tpu.memref_slice %arg4[%add3A_133, %dma_start3A_134] : memref<80x125xi32, #tpu.memory_space<vmem>> -> memref<1x125xi32, #tpu.memory_space<vmem>>
      %dma_start3A_136 = tpu.memref_squeeze %dma_start3A_135 : memref<1x125xi32, #tpu.memory_space<vmem>> -> memref<125xi32, #tpu.memory_space<vmem>>
      %dma_start3A_137 = arith.constant 0 : i32
      %dma_start3A_138 = arith.constant 0 : i32
      %dma_start3A_139 = tpu.memref_slice %arg7[%dma_start3A_137, %dma_start3A_138] : memref<10240x16xf32, #tpu.memory_space<vmem_shared>> -> memref<10240x16xf32, #tpu.memory_space<vmem_shared>>
      tpu.enqueue_indirect_dma source(%arg5 : memref<125x16xf32, #tpu.memory_space<vmem>>) target(%dma_start3A_139 : memref<10240x16xf32, #tpu.memory_space<vmem_shared>>) offsets(%dma_start3A_136 : memref<125xi32, #tpu.memory_space<vmem>>) semaphore(%arg8 : memref<!tpu.dma_semaphore, #tpu.memory_space<semaphore_mem>>)
      %dma_wait3A_140 = arith.constant 0 : i32
      %dma_wait3A_141 = arith.constant 0 : i32
      %dma_wait3A_142 = tpu.memref_slice %arg4[%dma_wait3A_140, %dma_wait3A_141] : memref<80x125xi32, #tpu.memory_space<vmem>> -> memref<1x125xi32, #tpu.memory_space<vmem>>
      %dma_wait3A_143 = tpu.memref_squeeze %dma_wait3A_142 : memref<1x125xi32, #tpu.memory_space<vmem>> -> memref<125xi32, #tpu.memory_space<vmem>>
      %dma_wait3A_144 = arith.constant 0 : i32
      %dma_wait3A_145 = arith.constant 0 : i32
      %dma_wait3A_146 = tpu.memref_slice %arg7[%dma_wait3A_144, %dma_wait3A_145] : memref<10240x16xf32, #tpu.memory_space<vmem_shared>> -> memref<10240x16xf32, #tpu.memory_space<vmem_shared>>
      tpu.wait_indirect_dma semaphore(%arg9 : memref<!tpu.dma_semaphore, #tpu.memory_space<semaphore_mem>>) src(%arg5 : memref<125x16xf32, #tpu.memory_space<vmem>>) dst(%dma_wait3A_146 : memref<10240x16xf32, #tpu.memory_space<vmem_shared>>)
      %add3A_147 = arith.constant 1 : i32
      %add3A_148 = arith.addi %scan3A_119, %add3A_147 : i32
      %mul3A_149 = arith.constant 4 : i32
      %mul3A_150 = arith.muli %add3A_148, %mul3A_149 : i32
      %add3A_151 = arith.constant 1 : i32
      %add3A_152 = arith.addi %mul3A_150, %add3A_151 : i32
      %dma_start3A_153 = arith.constant 0 : i32
      %dma_start3A_154 = tpu.memref_slice %arg4[%add3A_152, %dma_start3A_153] : memref<80x125xi32, #tpu.memory_space<vmem>> -> memref<1x125xi32, #tpu.memory_space<vmem>>
      %dma_start3A_155 = tpu.memref_squeeze %dma_start3A_154 : memref<1x125xi32, #tpu.memory_space<vmem>> -> memref<125xi32, #tpu.memory_space<vmem>>
      %dma_start3A_156 = arith.constant 0 : i32
      %dma_start3A_157 = arith.constant 0 : i32
      %dma_start3A_158 = tpu.memref_slice %arg7[%dma_start3A_156, %dma_start3A_157] : memref<10240x16xf32, #tpu.memory_space<vmem_shared>> -> memref<10240x16xf32, #tpu.memory_space<vmem_shared>>
      tpu.enqueue_indirect_dma source(%arg5 : memref<125x16xf32, #tpu.memory_space<vmem>>) target(%dma_start3A_158 : memref<10240x16xf32, #tpu.memory_space<vmem_shared>>) offsets(%dma_start3A_155 : memref<125xi32, #tpu.memory_space<vmem>>) semaphore(%arg9 : memref<!tpu.dma_semaphore, #tpu.memory_space<semaphore_mem>>)
      %dma_wait3A_159 = arith.constant 0 : i32
      %dma_wait3A_160 = arith.constant 0 : i32
      %dma_wait3A_161 = tpu.memref_slice %arg4[%dma_wait3A_159, %dma_wait3A_160] : memref<80x125xi32, #tpu.memory_space<vmem>> -> memref<1x125xi32, #tpu.memory_space<vmem>>
      %dma_wait3A_162 = tpu.memref_squeeze %dma_wait3A_161 : memref<1x125xi32, #tpu.memory_space<vmem>> -> memref<125xi32, #tpu.memory_space<vmem>>
      %dma_wait3A_163 = arith.constant 0 : i32
      %dma_wait3A_164 = arith.constant 0 : i32
      %dma_wait3A_165 = tpu.memref_slice %arg7[%dma_wait3A_163, %dma_wait3A_164] : memref<10240x16xf32, #tpu.memory_space<vmem_shared>> -> memref<10240x16xf32, #tpu.memory_space<vmem_shared>>
      tpu.wait_indirect_dma semaphore(%arg10 : memref<!tpu.dma_semaphore, #tpu.memory_space<semaphore_mem>>) src(%arg5 : memref<125x16xf32, #tpu.memory_space<vmem>>) dst(%dma_wait3A_165 : memref<10240x16xf32, #tpu.memory_space<vmem_shared>>)
      %add3A_166 = arith.constant 1 : i32
      %add3A_167 = arith.addi %scan3A_119, %add3A_166 : i32
      %mul3A_168 = arith.constant 4 : i32
      %mul3A_169 = arith.muli %add3A_167, %mul3A_168 : i32
      %add3A_170 = arith.constant 2 : i32
      %add3A_171 = arith.addi %mul3A_169, %add3A_170 : i32
      %dma_start3A_172 = arith.constant 0 : i32
      %dma_start3A_173 = tpu.memref_slice %arg4[%add3A_171, %dma_start3A_172] : memref<80x125xi32, #tpu.memory_space<vmem>> -> memref<1x125xi32, #tpu.memory_space<vmem>>
      %dma_start3A_174 = tpu.memref_squeeze %dma_start3A_173 : memref<1x125xi32, #tpu.memory_space<vmem>> -> memref<125xi32, #tpu.memory_space<vmem>>
      %dma_start3A_175 = arith.constant 0 : i32
      %dma_start3A_176 = arith.constant 0 : i32
      %dma_start3A_177 = tpu.memref_slice %arg7[%dma_start3A_175, %dma_start3A_176] : memref<10240x16xf32, #tpu.memory_space<vmem_shared>> -> memref<10240x16xf32, #tpu.memory_space<vmem_shared>>
      tpu.enqueue_indirect_dma source(%arg5 : memref<125x16xf32, #tpu.memory_space<vmem>>) target(%dma_start3A_177 : memref<10240x16xf32, #tpu.memory_space<vmem_shared>>) offsets(%dma_start3A_174 : memref<125xi32, #tpu.memory_space<vmem>>) semaphore(%arg10 : memref<!tpu.dma_semaphore, #tpu.memory_space<semaphore_mem>>)
      %dma_wait3A_178 = arith.constant 0 : i32
      %dma_wait3A_179 = arith.constant 0 : i32
      %dma_wait3A_180 = tpu.memref_slice %arg4[%dma_wait3A_178, %dma_wait3A_179] : memref<80x125xi32, #tpu.memory_space<vmem>> -> memref<1x125xi32, #tpu.memory_space<vmem>>
      %dma_wait3A_181 = tpu.memref_squeeze %dma_wait3A_180 : memref<1x125xi32, #tpu.memory_space<vmem>> -> memref<125xi32, #tpu.memory_space<vmem>>
      %dma_wait3A_182 = arith.constant 0 : i32
      %dma_wait3A_183 = arith.constant 0 : i32
      %dma_wait3A_184 = tpu.memref_slice %arg7[%dma_wait3A_182, %dma_wait3A_183] : memref<10240x16xf32, #tpu.memory_space<vmem_shared>> -> memref<10240x16xf32, #tpu.memory_space<vmem_shared>>
      tpu.wait_indirect_dma semaphore(%arg11 : memref<!tpu.dma_semaphore, #tpu.memory_space<semaphore_mem>>) src(%arg5 : memref<125x16xf32, #tpu.memory_space<vmem>>) dst(%dma_wait3A_184 : memref<10240x16xf32, #tpu.memory_space<vmem_shared>>)
      %add3A_185 = arith.constant 1 : i32
      %add3A_186 = arith.addi %scan3A_119, %add3A_185 : i32
      %mul3A_187 = arith.constant 4 : i32
      %mul3A_188 = arith.muli %add3A_186, %mul3A_187 : i32
      %add3A_189 = arith.constant 3 : i32
      %add3A_190 = arith.addi %mul3A_188, %add3A_189 : i32
      %dma_start3A_191 = arith.constant 0 : i32
      %dma_start3A_192 = tpu.memref_slice %arg4[%add3A_190, %dma_start3A_191] : memref<80x125xi32, #tpu.memory_space<vmem>> -> memref<1x125xi32, #tpu.memory_space<vmem>>
      %dma_start3A_193 = tpu.memref_squeeze %dma_start3A_192 : memref<1x125xi32, #tpu.memory_space<vmem>> -> memref<125xi32, #tpu.memory_space<vmem>>
      %dma_start3A_194 = arith.constant 0 : i32
      %dma_start3A_195 = arith.constant 0 : i32
      %dma_start3A_196 = tpu.memref_slice %arg7[%dma_start3A_194, %dma_start3A_195] : memref<10240x16xf32, #tpu.memory_space<vmem_shared>> -> memref<10240x16xf32, #tpu.memory_space<vmem_shared>>
      tpu.enqueue_indirect_dma source(%arg5 : memref<125x16xf32, #tpu.memory_space<vmem>>) target(%dma_start3A_196 : memref<10240x16xf32, #tpu.memory_space<vmem_shared>>) offsets(%dma_start3A_193 : memref<125xi32, #tpu.memory_space<vmem>>) semaphore(%arg11 : memref<!tpu.dma_semaphore, #tpu.memory_space<semaphore_mem>>)
      %scan3A_197 = arith.constant 0 : i32
      scf.yield %scan3A_197 : i32
    }
    %scan3A_82 = arith.constant 19 : i32
    %dma_wait3A_83 = arith.constant 0 : i32
    %dma_wait3A_84 = arith.constant 0 : i32
    %dma_wait3A_85 = tpu.memref_slice %arg4[%dma_wait3A_83, %dma_wait3A_84] : memref<80x125xi32, #tpu.memory_space<vmem>> -> memref<1x125xi32, #tpu.memory_space<vmem>>
    %dma_wait3A_86 = tpu.memref_squeeze %dma_wait3A_85 : memref<1x125xi32, #tpu.memory_space<vmem>> -> memref<125xi32, #tpu.memory_space<vmem>>
    %dma_wait3A_87 = arith.constant 0 : i32
    %dma_wait3A_88 = arith.constant 0 : i32
    %dma_wait3A_89 = tpu.memref_slice %arg7[%dma_wait3A_87, %dma_wait3A_88] : memref<10240x16xf32, #tpu.memory_space<vmem_shared>> -> memref<10240x16xf32, #tpu.memory_space<vmem_shared>>
    tpu.wait_indirect_dma semaphore(%arg8 : memref<!tpu.dma_semaphore, #tpu.memory_space<semaphore_mem>>) src(%arg5 : memref<125x16xf32, #tpu.memory_space<vmem>>) dst(%dma_wait3A_89 : memref<10240x16xf32, #tpu.memory_space<vmem_shared>>)
    %dma_wait3A_90 = arith.constant 0 : i32
    %dma_wait3A_91 = arith.constant 0 : i32
    %dma_wait3A_92 = tpu.memref_slice %arg4[%dma_wait3A_90, %dma_wait3A_91] : memref<80x125xi32, #tpu.memory_space<vmem>> -> memref<1x125xi32, #tpu.memory_space<vmem>>
    %dma_wait3A_93 = tpu.memref_squeeze %dma_wait3A_92 : memref<1x125xi32, #tpu.memory_space<vmem>> -> memref<125xi32, #tpu.memory_space<vmem>>
    %dma_wait3A_94 = arith.constant 0 : i32
    %dma_wait3A_95 = arith.constant 0 : i32
    %dma_wait3A_96 = tpu.memref_slice %arg7[%dma_wait3A_94, %dma_wait3A_95] : memref<10240x16xf32, #tpu.memory_space<vmem_shared>> -> memref<10240x16xf32, #tpu.memory_space<vmem_shared>>
    tpu.wait_indirect_dma semaphore(%arg9 : memref<!tpu.dma_semaphore, #tpu.memory_space<semaphore_mem>>) src(%arg5 : memref<125x16xf32, #tpu.memory_space<vmem>>) dst(%dma_wait3A_96 : memref<10240x16xf32, #tpu.memory_space<vmem_shared>>)
    %dma_wait3A_97 = arith.constant 0 : i32
    %dma_wait3A_98 = arith.constant 0 : i32
    %dma_wait3A_99 = tpu.memref_slice %arg4[%dma_wait3A_97, %dma_wait3A_98] : memref<80x125xi32, #tpu.memory_space<vmem>> -> memref<1x125xi32, #tpu.memory_space<vmem>>
    %dma_wait3A_100 = tpu.memref_squeeze %dma_wait3A_99 : memref<1x125xi32, #tpu.memory_space<vmem>> -> memref<125xi32, #tpu.memory_space<vmem>>
    %dma_wait3A_101 = arith.constant 0 : i32
    %dma_wait3A_102 = arith.constant 0 : i32
    %dma_wait3A_103 = tpu.memref_slice %arg7[%dma_wait3A_101, %dma_wait3A_102] : memref<10240x16xf32, #tpu.memory_space<vmem_shared>> -> memref<10240x16xf32, #tpu.memory_space<vmem_shared>>
    tpu.wait_indirect_dma semaphore(%arg10 : memref<!tpu.dma_semaphore, #tpu.memory_space<semaphore_mem>>) src(%arg5 : memref<125x16xf32, #tpu.memory_space<vmem>>) dst(%dma_wait3A_103 : memref<10240x16xf32, #tpu.memory_space<vmem_shared>>)
    %dma_wait3A_104 = arith.constant 0 : i32
    %dma_wait3A_105 = arith.constant 0 : i32
    %dma_wait3A_106 = tpu.memref_slice %arg4[%dma_wait3A_104, %dma_wait3A_105] : memref<80x125xi32, #tpu.memory_space<vmem>> -> memref<1x125xi32, #tpu.memory_space<vmem>>
    %dma_wait3A_107 = tpu.memref_squeeze %dma_wait3A_106 : memref<1x125xi32, #tpu.memory_space<vmem>> -> memref<125xi32, #tpu.memory_space<vmem>>
    %dma_wait3A_108 = arith.constant 0 : i32
    %dma_wait3A_109 = arith.constant 0 : i32
    %dma_wait3A_110 = tpu.memref_slice %arg7[%dma_wait3A_108, %dma_wait3A_109] : memref<10240x16xf32, #tpu.memory_space<vmem_shared>> -> memref<10240x16xf32, #tpu.memory_space<vmem_shared>>
    tpu.wait_indirect_dma semaphore(%arg11 : memref<!tpu.dma_semaphore, #tpu.memory_space<semaphore_mem>>) src(%arg5 : memref<125x16xf32, #tpu.memory_space<vmem>>) dst(%dma_wait3A_110 : memref<10240x16xf32, #tpu.memory_space<vmem_shared>>)
    %barrier3A_111 = arith.constant 0 : index
    tpu.barrier barrier_id(%barrier3A_111)
    %mul3A_112 = arith.constant 640 : i32
    %mul3A_113 = arith.muli %arg1, %mul3A_112 : i32
    %mul3A_114 = arith.constant 10240 : i32
    %mul3A_115 = arith.muli %arg0, %mul3A_114 : i32
    %mul3A_116 = arith.constant 640 : i32
    %mul3A_117 = arith.muli %arg1, %mul3A_116 : i32
    %add3A_118 = arith.addi %mul3A_115, %mul3A_117 : i32
    "tpu.region"() ({
      %run_scoped3A = tpu.sem_alloc : memref<!tpu.dma_semaphore, #tpu.memory_space<semaphore_mem>>
      %dma_start3A_119 = arith.constant 0 : i32
      %dma_start3A_120 = tpu.memref_slice %arg3[%add3A_118, %dma_start3A_119] : memref<20480x16xf32, #tpu.memory_space<hbm>> -> memref<640x16xf32, #tpu.memory_space<hbm>>
      %dma_start3A_121 = arith.constant 0 : i32
      %dma_start3A_122 = tpu.memref_slice %arg7[%mul3A_113, %dma_start3A_121] : memref<10240x16xf32, #tpu.memory_space<vmem_shared>> -> memref<640x16xf32, #tpu.memory_space<vmem_shared>>
      tpu.enqueue_dma source(%dma_start3A_122 : memref<640x16xf32, #tpu.memory_space<vmem_shared>>) target(%dma_start3A_120 : memref<640x16xf32, #tpu.memory_space<hbm>>) target_semaphore(%run_scoped3A : memref<!tpu.dma_semaphore, #tpu.memory_space<semaphore_mem>>)
      %dma_wait3A_123 = arith.constant 0 : i32
      %dma_wait3A_124 = tpu.memref_slice %arg3[%add3A_118, %dma_wait3A_123] : memref<20480x16xf32, #tpu.memory_space<hbm>> -> memref<640x16xf32, #tpu.memory_space<hbm>>
      %dma_wait3A_125 = arith.constant 0 : i32
      %dma_wait3A_126 = tpu.memref_slice %arg7[%mul3A_113, %dma_wait3A_125] : memref<10240x16xf32, #tpu.memory_space<vmem_shared>> -> memref<640x16xf32, #tpu.memory_space<vmem_shared>>
      tpu.wait_dma2 semaphore(%run_scoped3A : memref<!tpu.dma_semaphore, #tpu.memory_space<semaphore_mem>>) src(%dma_wait3A_126 : memref<640x16xf32, #tpu.memory_space<vmem_shared>>) dst(%dma_wait3A_124 : memref<640x16xf32, #tpu.memory_space<hbm>>)
      tpu.yield
    }) : () -> ()
    return
  }
}

module attributes {stable_mosaic.version = 14 : i64} {
  func.func @_scale_body(%arg0: memref<10000x128xf32, #tpu.memory_space<vmem>>, %arg1: memref<20480x16xf32, #tpu.memory_space<vmem>>, %arg2: memref<10000x128xf32, #tpu.memory_space<vmem>>) attributes {dimension_semantics = [], scalar_prefetch = 0 : i64, scratch_operands = 0 : i64, tpu.core_type = #tpu.core_type<tc>} {
    %get3A = arith.constant 0 : index
    %get3A_0 = arith.constant 0 : index
    %get3A_1 = vector.load %arg1[%get3A, %get3A_0] : memref<20480x16xf32, #tpu.memory_space<vmem>>, vector<10000x1xf32>
    %get3A_2 = arith.constant 10240 : index
    %get3A_3 = arith.constant 0 : index
    %get3A_4 = vector.load %arg1[%get3A_2, %get3A_3] : memref<20480x16xf32, #tpu.memory_space<vmem>>, vector<10000x1xf32>
    %add3A = arith.addf %get3A_1, %get3A_4 : vector<10000x1xf32>
    %add3A_5 = arith.constant 1.000000e+00 : f32
    %add3A_6 = vector.broadcast %add3A_5 : f32 to vector<10000x1xf32>
    %add3A_7 = arith.addf %add3A, %add3A_6 : vector<10000x1xf32>
    %rsqrt3A = math.rsqrt %add3A_7 : vector<10000x1xf32>
    %get3A_8 = arith.constant 0 : index
    %get3A_9 = arith.constant 0 : index
    %get3A_10 = vector.load %arg0[%get3A_8, %get3A_9] : memref<10000x128xf32, #tpu.memory_space<vmem>>, vector<10000x128xf32>
    %mul3A = vector.broadcast %rsqrt3A : vector<10000x1xf32> to vector<10000x128xf32>
    %mul3A_11 = arith.mulf %mul3A, %get3A_10 : vector<10000x128xf32>
    %swap3A = arith.constant 0 : index
    %swap3A_12 = arith.constant 0 : index
    %swap3A_13 = vector.load %arg2[%swap3A, %swap3A_12] : memref<10000x128xf32, #tpu.memory_space<vmem>>, vector<10000x128xf32>
    tpu.vector_store %arg2[%swap3A, %swap3A_12], %mul3A_11 {strides = array<i32>} : memref<10000x128xf32, #tpu.memory_space<vmem>>, vector<10000x128xf32>,
    return
  }
}

module attributes {stable_mosaic.version = 14 : i64} {
  func.func @_comb_body(%arg0: memref<20480x128xf32, #tpu.memory_space<vmem>>, %arg1: memref<10000x128xf32, #tpu.memory_space<vmem>>, %arg2: memref<20480x16xf32, #tpu.memory_space<vmem>>, %arg3: memref<128x128xf32, #tpu.memory_space<vmem>>, %arg4: memref<1x128xf32, #tpu.memory_space<vmem>>, %arg5: memref<10000x128xf32, #tpu.memory_space<vmem>>) attributes {dimension_semantics = [], scalar_prefetch = 0 : i64, scratch_operands = 0 : i64, tpu.core_type = #tpu.core_type<tc>} {
    %get3A = arith.constant 0 : index
    %get3A_0 = arith.constant 0 : index
    %get3A_1 = vector.load %arg2[%get3A, %get3A_0] : memref<20480x16xf32, #tpu.memory_space<vmem>>, vector<10000x1xf32>
    %get3A_2 = arith.constant 10240 : index
    %get3A_3 = arith.constant 0 : index
    %get3A_4 = vector.load %arg2[%get3A_2, %get3A_3] : memref<20480x16xf32, #tpu.memory_space<vmem>>, vector<10000x1xf32>
    %add3A = arith.addf %get3A_1, %get3A_4 : vector<10000x1xf32>
    %add3A_5 = arith.constant 1.000000e+00 : f32
    %add3A_6 = vector.broadcast %add3A_5 : f32 to vector<10000x1xf32>
    %add3A_7 = arith.addf %add3A, %add3A_6 : vector<10000x1xf32>
    %rsqrt3A = math.rsqrt %add3A_7 : vector<10000x1xf32>
    %get3A_8 = arith.constant 0 : index
    %get3A_9 = arith.constant 0 : index
    %get3A_10 = vector.load %arg0[%get3A_8, %get3A_9] : memref<20480x128xf32, #tpu.memory_space<vmem>>, vector<10000x128xf32>
    %get3A_11 = arith.constant 10240 : index
    %get3A_12 = arith.constant 0 : index
    %get3A_13 = vector.load %arg0[%get3A_11, %get3A_12] : memref<20480x128xf32, #tpu.memory_space<vmem>>, vector<10000x128xf32>
    %add3A_14 = arith.addf %get3A_10, %get3A_13 : vector<10000x128xf32>
    %get3A_15 = arith.constant 0 : index
    %get3A_16 = arith.constant 0 : index
    %get3A_17 = vector.load %arg1[%get3A_15, %get3A_16] : memref<10000x128xf32, #tpu.memory_space<vmem>>, vector<10000x128xf32>
    %add3A_18 = arith.addf %add3A_14, %get3A_17 : vector<10000x128xf32>
    %mul3A = vector.broadcast %rsqrt3A : vector<10000x1xf32> to vector<10000x128xf32>
    %mul3A_19 = arith.mulf %mul3A, %add3A_18 : vector<10000x128xf32>
    %get3A_20 = arith.constant 0 : index
    %get3A_21 = arith.constant 0 : index
    %get3A_22 = vector.load %arg3[%get3A_20, %get3A_21] : memref<128x128xf32, #tpu.memory_space<vmem>>, vector<128x128xf32>
    %dot_general3A = arith.constant dense<0.000000e+00> : vector<10000x128xf32>
    %dot_general3A_23 = tpu.matmul %mul3A_19, %get3A_22, %dot_general3A {dimension_numbers = #tpu.dot_dimension_numbers<[1], [0], [0], [1], [0, 0, 1, 1], [], []>, transpose_lhs_hint = false} : vector<10000x128xf32>, vector<128x128xf32>, vector<10000x128xf32> -> vector<10000x128xf32>
    %get3A_24 = arith.constant 0 : index
    %get3A_25 = arith.constant 0 : index
    %get3A_26 = vector.load %arg4[%get3A_24, %get3A_25] : memref<1x128xf32, #tpu.memory_space<vmem>>, vector<1x128xf32>
    %add3A_27 = vector.broadcast %get3A_26 : vector<1x128xf32> to vector<10000x128xf32>
    %add3A_28 = arith.addf %dot_general3A_23, %add3A_27 : vector<10000x128xf32>
    %swap3A = arith.constant 0 : index
    %swap3A_29 = arith.constant 0 : index
    %swap3A_30 = vector.load %arg5[%swap3A, %swap3A_29] : memref<10000x128xf32, #tpu.memory_space<vmem>>, vector<10000x128xf32>
    tpu.vector_store %arg5[%swap3A, %swap3A_29], %add3A_28 {strides = array<i32>} : memref<10000x128xf32, #tpu.memory_space<vmem>>, vector<10000x128xf32>,
    return
  }
}

</mosaic_0001>

<sc_bundles>
// kernel: kernel.6.cloned.1.call-start
scs
__scs_entry_jumppad:
0x0: {  	(pc) =	sbr.rel $0x88, $3  }
0x1: {  	(tag) =	ssettag $0x0;
	lr =	simm.s32 $0x1  }
0x2: {  	[smem:$0x3F9D] =	sst lr;
	_ =	strace $0xD0000000  }
0x3: {  	_ = 	snop  }
0x4: {  	_ = 	snop  }
0x5: {  	_ = 	snop  }
0x6: {  	_ = 	snop  }
0x7: {  	_ = 	snop  }
__scs_overlays_trampoline_lowered:
0x8: {  	[smem:$0x3FAC] =	sst s0  }
0x9: {  	[smem:$0x3FAD] =	sst s1  }
0xa: {  	[smem:$0x3FAE] =	sst s2  }
0xb: {  	[smem:$0x3FAF] =	sst s3  }
0xc: {  	[smem:$0x3FB0] =	sst s4  }
0xd: {  	[smem:$0x3FB1] =	sst s5  }
0xe: {  	[smem:$0x3FB2] =	sst s6  }
0xf: {  	[smem:$0x3FB3] =	sst s7  }
0x10: {  	[smem:$0x3FB4] =	sst s8  }
0x11: {  	[smem:$0x3FB5] =	sst s9;
	s0 =	simm.s32 @!p0 $0x0  }
0x12: {  	s1 =	sld [smem:$0x3F9B];
	s0 =	simm.s32 @p0 $0x1  }
0x13: {  	[smem:$0x3FB6] =	sst s0;
	s0 =	simm.s32 @!p1 $0x0  }
0x14: {  	s2 =	sld [smem:$0x3F9A];
	s0 =	simm.s32 @p1 $0x1  }
0x15: {  	[smem:$0x3FB7] =	sst s0;
	s0 =	simm.s32 @!p2 $0x0  }
0x16: {  	s3 =	sld [smem:$0x3FDB];
	s0 =	simm.s32 @p2 $0x1  }
0x17: {  	s4 =	simm.s32 $0x1BF5;
	[smem:$0x3FB9] =	sst s0  }
0x18: {  	s0 =	sld [smem:$0x3F9C];
	_ =	swait.ge [sflag:s4], $0x0  }
0x19: {  	s7 =	sld [smem:$0x3F9D]  }
0x1a: {  	s8 =	sadd.s32 $0xFFFFE003, lr  }
0x1b: {  	s9 =	sadd.s32 $0xFFFFFEF7, lr;
	s5 =	simm.s32 $0xFFFFFFFF;
	p2 =	slt.u32 s8, $0xFFFFF086  }
0x1c: {  	p1 =	slt.u32 s9, $0xF7A;
	s5 =	simm.s32 @!p2 $0x0  }
0x1d: {  	s5 =	simm.s32 @p1 $0x1;
	p0 =	seq.s32 s7, s2  }
0x1e: {  	s7 =	smul.u32 @!p0 $0xF7A, s2;
	p2 =	seq.s32 @!p0 s5, $0x0  }
0x1f: {  	s9 =	smul.u32 $0xF7A, s1;
	s8 =	simm.s32 @!p0 $0x1BF5;
	p2 =	por !p2, p0  }
0x20: {  	[sflag:s8] =	ssyncset.s32 @!p0 $0xFFFFF086;
	s6 =	sadd.s32 @!p0 s3, s7;
	s7 =	simm.s32 @!p0 $0x108  }
0x21: {  	s3 =	sadd.s32 s3, s9;
	s6 =	sadd.s32 @!p0 $0x88, s6;
	s7 =	simm.s32 @p2 $0x1082  }
0x22: {  	[simem:s7], [sflag:s8] =	dma.local @!p0 [hbm:s6], $0xF7A  }
0x23: {  	s9 =	sor.u32 $0xD0000000, s2;
	s6 =	simm.s32 $0x108;
	_ =	swait.ge @!p0 [sflag:s8], $0x0  }
0x24: {  	s3 =	sadd.s32 $0x88, s3;
	s6 =	simm.s32 @!p1 $0x1082;
	[sflag:s4] =	ssyncset.s32 $0xFFFFF086  }
0x25: {  	[simem:s6], [sflag:s4] =	dma.local [hbm:s3], $0xF7A  }
0x26: {  	[smem:$0x3F9D] =	sst s1;
	(tag) =	ssettag s2;
	_ =	strace s9  }
0x27: {  	s1 =	sld [smem:$0x3FAD]  }
0x28: {  	s2 =	sld [smem:$0x3FAE]  }
0x29: {  	s4 =	sld [smem:$0x3FB0]  }
0x2a: {  	p0 =	seq.s32 s5, $0x0;
	s5 =	sld [smem:$0x3FB1]  }
0x2b: {  	s6 =	sld [smem:$0x3FB2]  }
0x2c: {  	s7 =	sld [smem:$0x3FB3]  }
0x2d: {  	s3 =	simm.s32 $0x108;
	s8 =	sld [smem:$0x3FB4]  }
0x2e: {  	s3 =	simm.s32 @!p0 $0x1082;
	s9 =	sld [smem:$0x3FB5]  }
0x2f: {  	lr =	sadd.s32 s0, s3;
	s0 =	sld [smem:$0x3FAC]  }
0x30: {  	s3 =	sld [smem:$0x3FAF]  }
0x31: {  	[smem:$0x3FB8] =	sst s10  }
0x32: {  	s10 =	sld [smem:$0x3FB6];
	_ =	sdelay $0x3  }
0x33: {  	p0 =	seq.s32 s10, $0x1;
	s10 =	sld [smem:$0x3FB8];
	_ =	sdelay $0x3  }
0x34: {  	[smem:$0x3FB8] =	sst s10  }
0x35: {  	s10 =	sld [smem:$0x3FB7];
	_ =	sdelay $0x3  }
0x36: {  	p1 =	seq.s32 s10, $0x1;
	s10 =	sld [smem:$0x3FB8];
	_ =	sdelay $0x3  }
0x37: {  	[smem:$0x3FB8] =	sst s10  }
0x38: {  	s10 =	sld [smem:$0x3FB9]  }
0x39: {  	_ = 	snop;
	(pc) =	sbr.ind lr, $3  }
0x3a: {  	_ = 	snop  }
0x3b: {  	_ = 	snop  }
0x3c: {  	p2 =	seq.s32 s10, $0x1;
	s10 =	sld [smem:$0x3FB8]  }
0x3d: {  	_ =	shalt  }
0x3e: {  	_ =	shalt  }
0x3f: {  	_ =	shalt  }
0x40: {  	_ =	shalt  }
0x41: {  	_ =	shalt  }
0x42: {  	_ =	shalt  }
0x43: {  	_ =	shalt  }
0x44: {  	_ =	shalt  }
0x45: {  	_ =	shalt  }
0x46: {  	_ =	shalt  }
0x47: {  	_ =	shalt  }
0x48: {  	_ =	shalt  }
0x49: {  	_ =	shalt  }
0x4a: {  	_ =	shalt  }
0x4b: {  	_ =	shalt  }
0x4c: {  	_ =	shalt  }
0x4d: {  	_ =	shalt  }
0x4e: {  	_ =	shalt  }
0x4f: {  	_ =	shalt  }
0x50: {  	_ =	shalt  }
0x51: {  	_ =	shalt  }
0x52: {  	_ =	shalt  }
0x53: {  	_ =	shalt  }
0x54: {  	_ =	shalt  }
0x55: {  	_ =	shalt  }
0x56: {  	_ =	shalt  }
0x57: {  	_ =	shalt  }
0x58: {  	_ =	shalt  }
0x59: {  	_ =	shalt  }
0x5a: {  	_ =	shalt  }
0x5b: {  	_ =	shalt  }
0x5c: {  	_ =	shalt  }
0x5d: {  	_ =	shalt  }
0x5e: {  	_ =	shalt  }
0x5f: {  	_ =	shalt  }
0x60: {  	_ =	shalt  }
0x61: {  	_ =	shalt  }
0x62: {  	_ =	shalt  }
0x63: {  	_ =	shalt  }
0x64: {  	_ =	shalt  }
0x65: {  	_ =	shalt  }
0x66: {  	_ =	shalt  }
0x67: {  	_ =	shalt  }
0x68: {  	_ =	shalt  }
0x69: {  	_ =	shalt  }
0x6a: {  	_ =	shalt  }
0x6b: {  	_ =	shalt  }
0x6c: {  	_ =	shalt  }
0x6d: {  	_ =	shalt  }
0x6e: {  	_ =	shalt  }
0x6f: {  	_ =	shalt  }
0x70: {  	_ =	shalt  }
0x71: {  	_ =	shalt  }
0x72: {  	_ =	shalt  }
0x73: {  	_ =	shalt  }
0x74: {  	_ =	shalt  }
0x75: {  	_ =	shalt  }
0x76: {  	_ =	shalt  }
0x77: {  	_ =	shalt  }
0x78: {  	_ =	shalt  }
0x79: {  	_ =	shalt  }
0x7a: {  	_ =	shalt  }
0x7b: {  	_ =	shalt  }
0x7c: {  	_ =	shalt  }
0x7d: {  	_ =	shalt  }
0x7e: {  	_ =	shalt  }
0x7f: {  	_ =	shalt  }
0x80: {  	_ =	shalt  }
0x81: {  	_ =	shalt  }
0x82: {  	_ =	shalt  }
0x83: {  	_ =	shalt  }
0x84: {  	_ =	shalt  }
0x85: {  	_ =	shalt  }
0x86: {  	_ =	shalt  }
0x87: {  	_ =	shalt  }
.Lfunc_end0:
.L_simem_size_0:
called_computation_lowered:
.L_overlay_start_0:
0x88: {  	s2 =	sld [smem:$0x3FD9]  }
0x89: {  	s3 =	sld [smem:$0x3FFE];
	_ =	sdelay $0x1  }
0x8a: {  	s1 =	srdreg.scid  }
0x8b: {  	s0 =	sand.u32 $0x1, s1  }
0x8c: {  	s17 =	sshll.u32 s0, $0xA;
	s2 =	sadd.s32 s3, s2  }
0x8d: {  	s2 =	sadd.s32 s2, s17  }
0x8e: {  	[smem:$0x3FC4] =	sst s2  }
0x8f: {  	_ = 	snop  }
0x90: {  	s2 =	sld [smem:$0x3FD0];
	(tm) =	ssettm $0x1  }
0x91: {  	s18 =	sld [smem:$0x3FFB];
	_ =	sdelay $0x3  }
0x92: {  	_ =	strace s18  }
0x93: {  	s3 =	sld [smem:$0x3FFC];
	_ =	sdelay $0x3  }
0x94: {  	_ =	strace s3  }
0x95: {  	s3 =	sld [smem:$0x3FFD];
	_ =	sdelay $0x3  }
0x96: {  	_ =	strace s3  }
0x97: {  	_ =	strace $0x8FFFFFFF  }
0x98: {  	s19 =	sld [smem:$0x3FDB];
	_ =	sdelay $0x1  }
0x99: {  	s4 =	simm.s32 $_scs_section_size  }
0x9a: {  	s5 =	simm.s32 $_size__tile_overlayer_lowered;
	s6 =	simm.s32 $_tile_overlayer_lowered  }
0x9b: {  	s22 =	simm.s32 $0x1BFF;
	s21 =	sshll.u32 s6, $0x1;
	s3 =	sadd.s32 s4, s19  }
0x9c: {  	s7 =	simm.s32 $0x0;
	s20 =	sshll.u32 s5, $0x1;
	s5 =	sadd.s32 s21, s3  }
0x9d: {  	[timem:s7], [sflag:s22] =	dma.local [hbm:s5], s20  }
0x9e: {  	_ =	swait.ge [sflag:s22], s20  }
0x9f: {  	s4 =	ssub.s32 $0x0, s20;
	[sflag:s22] =	ssyncset.done $0x0  }
0xa0: {  	[sflag:s22] =	ssyncadd.s32 s4;
	_ =	sdelay $0x1  }
0xa1: {  	s23 =	simm.s32 $0x1B8B  }
0xa2: {  	_ =	swait.ge [sflag:s23], $0x1  }
0xa3: {  	[sflag:s23] =	ssyncset.done $0x0  }
0xa4: {  	s25 =	simm.s32 $0x1B8E;
	s24 =	sld [smem:$0x3FFE];
	[sflag:s23] =	ssyncadd.s32 $0xFFFFFFFF  }
0xa5: {  	s26 =	simm.s32 $execute0_lowered;
	[smem:$0x3FD2] =	sst s25  }
0xa6: {  	s5 =	sshll.u32 s26, $0x1;
	_ =	strace $0x80000046;
	[dreg:$0x1] =	wrdreg $0xFFFFFFFF  }
0xa7: {  	s28 =	simm.s32 $_size_execute0_lowered;
	s3 =	sadd.s32 s3, s5;
	[dreg:$0x0] =	wrdreg $0x0  }
0xa8: {  	s5 =	sshll.u32 s28, $0x1;
	[dreg:$0x2] =	wrdreg s3  }
0xa9: {  	[dreg:$0x3] =	wrdreg s5  }
0xaa: {  	[dreg:$0x4] =	wrdreg $0xC0  }
0xab: {  	_ =	task [dreg:s7], $0x5FFFF  }
0xac: {  	[dreg:$0x1] =	wrdreg $0xFFFFFFFF  }
0xad: {  	[dreg:$0x0] =	wrdreg $0x60  }
0xae: {  	[dreg:$0x2] =	wrdreg s2  }
0xaf: {  	[dreg:$0x3] =	wrdreg s24  }
0xb0: {  	[dreg:$0x4] =	wrdreg $0xA8000  }
0xb1: {  	[dreg:$0x5] =	wrdreg $0x9  }
0xb2: {  	_ =	task.clear_ibuf [dreg:s7], $0x6FFFF;
	_ =	strace $0x90000046  }
0xb3: {  	s29 =	simm.s32 $0x9;
	_ =	strace $0x80000048  }
0xb4: {  	_ =	swait.ge [sflag:s29], $0x1  }
0xb5: {  	[sflag:s29] =	ssyncadd.s32 $0xFFFFFFFF  }
0xb6: {  	_ =	strace $0x90000048  }
0xb7: {  	_ =	sfence  }
0xb8: {  	s30 =	sld [smem:$0x0];
	_ =	sdelay $0x2  }
0xb9: {  	s31 =	sshll.u32 s1, $0xD;
	s1 =	sshrl.u32 s1, $0x2  }
0xba: {  	s3 =	sand.u32 $0x4000, s31;
	s1 =	sadd.s32 s1, s30  }
0xbb: {  	s0 =	sor.u32 s3, s0;
	s1 =	sshll.u32 s1, $0x11  }
0xbc: {  	s0 =	sor.u32 s1, s0  }
0xbd: {  	s0 =	sadd.s32 $0x8F2B, s0  }
0xbe: {  	[sflag:s0] =	ssyncadd.remote.s32 $0x1  }
0xbf: {  	_ =	sfence.sel $0xFFFF  }
0xc0: {  	[dreg:$0x0] =	wrdreg $0xFFFFFFFF;
	(pc) =	sbr.abs _section_cstart, $3  }
0xc1: {  	[dreg:$0x1] =	wrdreg $0xFFFFFFFF  }
0xc2: {  	_ =	task.clear_ibuf [dreg:s7], $0x2FFFF;
	_ =	strace $0x9FFFFFFF  }
0xc3: {  	(tm) =	ssettm $0x7FFFFFFF  }
tec
execute0_lowered:
.L_overlay_start_1:
0x0: {  	(tag) =	ssettag $0x1  }
0x1: {  	s5 =	rddreg [dreg:$0x0]  }
0x2: {  	s4 =	rddreg [dreg:$0x1]  }
0x3: {  	s1 =	srdreg.scid;
	s0 =	stileid.u32  }
0x4: {  	s2 =	rddreg [dreg:$0x2];
	s3 =	simm.s32 $0x0;
	s12 =	simm.s32 $0x6800  }
0x5: {  	s13 =	simm.s32 $0x6;
	s14 =	simm.s32 $0x5;
	s15 =	simm.s32 $0x7D  }
0x6: {  	s16 =	simm.s32 $0x2800;
	s17 =	simm.s32 $0x80;
	s18 =	simm.s32 $0x100  }
0x7: {  	s19 =	simm.s32 $0x180;
	s20 =	simm.s32 $0x1;
	s21 =	simm.s32 $0x2  }
0x8: {  	s22 =	simm.s32 $0x3;
	s23 =	simm.s32 $0x4;
	s7 =	smul.u32 $0x2800, s0  }
0x9: {  	s6 =	sand.u32 $0x1, s1;
	s1 =	rddreg [dreg:$0x3];
	s10 =	smul.u32 $0x50000, s0  }
0xa: {  	s24 =	simm.s32 $0x0;
	[smem:$0x7FF] =	sst s3;
	s8 =	smul.u32 $0x28000, s6  }
0xb: {  	s9 =	sshll.u32 s6, $0x4;
	_ =	strace $0x80000047;
	s6 =	ssub.s32 $0x2, s6  }
0xc: {  	s28 =	sor.u32 s0, s9;
	s29 =	sshrl.u32 s10, $0x2;
	s31 =	sshrl.u32 s6, $0x1  }
0xd: {  	s7 =	sadd.s32 s7, s8;
	s8 =	smul.u32 $0x500, s28;
	s11 =	ssub.s32 s6, s31  }
0xe: {  	s30 =	sadd.s32 s7, s4;
	s4 =	sadd.s32 s29, s2;
	s11 =	smax.u32 s11, $0x1  }
0xf: {  	s5 =	sadd.s32 s5, s8;
	s6 =	sadd.s32 $0x4000, s4;
	s7 =	sadd.s32 $0x8000, s4  }
0x10: {  	v0 =	vimm.f32 $1.000000000e+00;
	v1 =	vimm.f32 $0.0e+00;
	s8 =	sadd.s32 $0xC000, s4;
	s9 =	sadd.s32 $0x10000, s4;
	s10 =	sadd.s32 $0x15800, s30  }
.LBB2_1:
0x11: {  	[tilespmem:s3], [sflag:$0x5] =	stream.linear.gather [hbm4b:s5+s3], $0x2800, $0x38;
	[tilespmem:$0xD000] =	vst v63  }
0x12: {  	s25 =	simm.s32 $0x0  }
.LBB2_2:
0x13: {  	p0 =	sne.s32 s25, $0xF800  }
.Ltmp0:
0x14: {  	_ = 	snop;
	(pc) =	sbr.rel @p0 .LBB2_2-.Ltmp0, $3  }
0x15: {  	_ =	sdelay $0x1  }
0x16: {  	s26 =	sshra.s32 s25, $0x2  }
0x17: {  	s25 =	sadd.s32 $0x200, s25;
	[tilespmem:s26+$0x2800] =	vst v0  }
0x18: {  	s25 =	simm.s32 $0x200;
	s26 =	simm.s32 $0x0  }
.LBB2_4:
0x19: {  	p0 =	sne.s32 s25, $0xFE00;
	[tilespmem:s26+$0x6800] =	vst v1;
	s26 =	smov.u32 s25;
	s25 =	sadd.s32 $0x200, s25  }
.Ltmp1:
0x1a: {  	(pc) =	sbr.rel @p0 .LBB2_4-.Ltmp1, $2  }
0x1b: {  	_ =	sdelay $0x2  }
0x1c: {  	s26 =	sshra.s32 s26, $0x2  }
0x1d: {  	[tilespmem:s26+$0x6800] =	vst v1  }
0x1e: {  	[spmem:s4] =	stream.linear.scatter [tilespmem:s12], [sflag:$0x6], $0x4000, $0x38;
	[tilespmem:$0xD000] =	vst v63  }
0x1f: {  	_ =	swait.ge [sflag:s13], $0x4000  }
0x20: {  	[sflag:s13] =	ssyncset.done $0x0  }
0x21: {  	[sflag:s13] =	ssyncadd.s32 $0xFFFFC000  }
0x22: {  	[spmem:s6] =	stream.linear.scatter [tilespmem:s12], [sflag:$0x6], $0x4000, $0x38;
	[tilespmem:$0xD000] =	vst v63  }
0x23: {  	_ =	swait.ge [sflag:s13], $0x4000  }
0x24: {  	[sflag:s13] =	ssyncset.done $0x0  }
0x25: {  	[sflag:s13] =	ssyncadd.s32 $0xFFFFC000  }
0x26: {  	[spmem:s7] =	stream.linear.scatter [tilespmem:s12], [sflag:$0x6], $0x4000, $0x38;
	[tilespmem:$0xD000] =	vst v63  }
0x27: {  	_ =	swait.ge [sflag:s13], $0x4000  }
0x28: {  	[sflag:s13] =	ssyncset.done $0x0  }
0x29: {  	[sflag:s13] =	ssyncadd.s32 $0xFFFFC000  }
0x2a: {  	[spmem:s8] =	stream.linear.scatter [tilespmem:s12], [sflag:$0x6], $0x4000, $0x38;
	[tilespmem:$0xD000] =	vst v63  }
0x2b: {  	_ =	swait.ge [sflag:s13], $0x4000  }
0x2c: {  	[sflag:s13] =	ssyncset.done $0x0  }
0x2d: {  	[sflag:s13] =	ssyncadd.s32 $0xFFFFC000  }
0x2e: {  	[spmem:s9] =	stream.linear.scatter [tilespmem:s12], [sflag:$0x6], $0x4000, $0x38;
	[tilespmem:$0xD000] =	vst v63  }
0x2f: {  	_ =	swait.ge [sflag:s13], $0x4000  }
0x30: {  	[sflag:s13] =	ssyncset.done $0x0  }
0x31: {  	[sflag:s13] =	ssyncadd.s32 $0xFFFFC000  }
0x32: {  	_ =	swait.ge [sflag:s14], $0x2800  }
0x33: {  	[sflag:s14] =	ssyncset.done $0x0  }
0x34: {  	[sflag:s14] =	ssyncadd.s32 $0xFFFFD800  }
0x35: {  	[bflag:$0x0] =	sbarrier.arrive $0xFFFF  }
0x36: {  	[spmem:s2] =	stream.indirect.scatter [tilespmem:s16], [sflag:$0x1], $0x10, s3, s15, $0xb8;
	[tilespmem:$0xD000] =	vst v63  }
0x37: {  	_ = 	snop  }
0x38: {  	[spmem:s2] =	stream.indirect.scatter [tilespmem:s16], [sflag:$0x2], $0x10, s17, s15, $0xb8;
	[tilespmem:$0xD000] =	vst v63  }
0x39: {  	_ = 	snop  }
0x3a: {  	[spmem:s2] =	stream.indirect.scatter [tilespmem:s16], [sflag:$0x3], $0x10, s18, s15, $0xb8;
	[tilespmem:$0xD000] =	vst v63  }
0x3b: {  	_ = 	snop  }
0x3c: {  	[spmem:s2] =	stream.indirect.scatter [tilespmem:s16], [sflag:$0x4], $0x10, s19, s15, $0xb8;
	[tilespmem:$0xD000] =	vst v63  }
0x3d: {  	_ =	swait.ge [sflag:s20], $0x7D0  }
0x3e: {  	[sflag:s20] =	ssyncset.done $0x0  }
0x3f: {  	s25 =	simm.s32 $0x200;
	[sflag:s20] =	ssyncadd.s32 $0xFFFFF830  }
0x40: {  	[spmem:s2] =	stream.indirect.scatter [tilespmem:s16], [sflag:$0x1], $0x10, s25, s15, $0xb8;
	[tilespmem:$0xD000] =	vst v63  }
0x41: {  	_ =	swait.ge [sflag:s21], $0x7D0  }
0x42: {  	[sflag:s21] =	ssyncset.done $0x0  }
0x43: {  	s30 =	simm.s32 $0x280;
	[sflag:s21] =	ssyncadd.s32 $0xFFFFF830  }
0x44: {  	[spmem:s2] =	stream.indirect.scatter [tilespmem:s16], [sflag:$0x2], $0x10, s30, s15, $0xb8;
	[tilespmem:$0xD000] =	vst v63  }
0x45: {  	_ =	swait.ge [sflag:s22], $0x7D0  }
0x46: {  	[sflag:s22] =	ssyncset.done $0x0  }
0x47: {  	s31 =	simm.s32 $0x300;
	[sflag:s22] =	ssyncadd.s32 $0xFFFFF830  }
0x48: {  	[spmem:s2] =	stream.indirect.scatter [tilespmem:s16], [sflag:$0x3], $0x10, s31, s15, $0xb8;
	[tilespmem:$0xD000] =	vst v63  }
0x49: {  	_ =	swait.ge [sflag:s23], $0x7D0  }
0x4a: {  	[sflag:s23] =	ssyncset.done $0x0  }
0x4b: {  	s26 =	simm.s32 $0x380;
	s25 =	simm.s32 $0xFFFF7000;
	[sflag:s23] =	ssyncadd.s32 $0xFFFFF830  }
.LBB2_6:
0x4c: {  	[spmem:s2] =	stream.indirect.scatter [tilespmem:s16], [sflag:$0x4], $0x10, s26, s15, $0xb8;
	[tilespmem:$0xD000] =	vst v63  }
0x4d: {  	s26 =	smov.u32 s25  }
0x4e: {  	p0 =	sne.s32 s25, $0xFFFFF800;
	s25 =	sadd.s32 $0x800, s25;
	_ =	swait.ge [sflag:s20], $0x7D0  }
0x4f: {  	s26 =	sshra.s32 s26, $0x2;
	[sflag:s20] =	ssyncset.done $0x0  }
0x50: {  	s28 =	sadd.s32 $0x2800, s26;
	[sflag:s20] =	ssyncadd.s32 $0xFFFFF830  }
0x51: {  	[spmem:s2] =	stream.indirect.scatter [tilespmem:s16], [sflag:$0x1], $0x10, s28, s15, $0xb8;
	[tilespmem:$0xD000] =	vst v63  }
0x52: {  	_ =	swait.ge [sflag:s21], $0x7D0  }
0x53: {  	[sflag:s21] =	ssyncset.done $0x0  }
0x54: {  	s28 =	sadd.s32 $0x2880, s26;
	[sflag:s21] =	ssyncadd.s32 $0xFFFFF830  }
0x55: {  	[spmem:s2] =	stream.indirect.scatter [tilespmem:s16], [sflag:$0x2], $0x10, s28, s15, $0xb8;
	[tilespmem:$0xD000] =	vst v63  }
0x56: {  	_ =	swait.ge [sflag:s22], $0x7D0  }
0x57: {  	[sflag:s22] =	ssyncset.done $0x0  }
.Ltmp2:
0x58: {  	s28 =	sadd.s32 $0x2900, s26;
	[sflag:s22] =	ssyncadd.s32 $0xFFFFF830;
	(pc) =	sbr.rel @p0 .LBB2_6-.Ltmp2, $4  }
0x59: {  	[spmem:s2] =	stream.indirect.scatter [tilespmem:s16], [sflag:$0x3], $0x10, s28, s15, $0xb8;
	[tilespmem:$0xD000] =	vst v63  }
0x5a: {  	_ =	swait.ge [sflag:s23], $0x7D0  }
0x5b: {  	[sflag:s23] =	ssyncset.done $0x0  }
0x5c: {  	s26 =	sadd.s32 $0x2980, s26;
	[sflag:s23] =	ssyncadd.s32 $0xFFFFF830  }
0x5d: {  	[spmem:s2] =	stream.indirect.scatter [tilespmem:s16], [sflag:$0x4], $0x10, s26, s15, $0xb8;
	[tilespmem:$0xD000] =	vst v63  }
0x5e: {  	_ =	swait.ge [sflag:s20], $0x7D0  }
0x5f: {  	[sflag:s20] =	ssyncset.done $0x0  }
0x60: {  	[sflag:s20] =	ssyncadd.s32 $0xFFFFF830  }
0x61: {  	_ =	swait.ge [sflag:s21], $0x7D0  }
0x62: {  	[sflag:s21] =	ssyncset.done $0x0  }
0x63: {  	[sflag:s21] =	ssyncadd.s32 $0xFFFFF830  }
0x64: {  	_ =	swait.ge [sflag:s22], $0x7D0  }
0x65: {  	[sflag:s22] =	ssyncset.done $0x0  }
0x66: {  	[sflag:s22] =	ssyncadd.s32 $0xFFFFF830  }
0x67: {  	_ =	swait.ge [sflag:s23], $0x7D0  }
0x68: {  	s25 =	sshll.u32 s0, $0x6;
	s24 =	sadd.s32 $0x1, s24;
	[sflag:s23] =	ssyncset.done $0x0  }
0x69: {  	s31 =	sshrl.u32 s4, $0x3;
	p0 =	sne.s32 s24, s11;
	[sflag:s23] =	ssyncadd.s32 $0xFFFFF830  }
.Ltmp3:
0x6a: {  	s25 =	sor.u32 $0x1C06, s25;
	[bflag:$0x0] =	sbarrier.arrive $0xFFFF;
	(pc) =	sbr.rel @p0 .LBB2_1-.Ltmp3, $4  }
0x6b: {  	[hbm:s10], [sflag:s25] =	dma.local [spmem:s31], $0x2800  }
0x6c: {  	_ =	swait.ge [sflag:s13], $0x2800  }
0x6d: {  	[sflag:s13] =	ssyncset.done $0x0  }
0x6e: {  	[sflag:s13] =	ssyncadd.s32 $0xFFFFD800  }
0x6f: {  	_ =	sfence.sel $0x180000  }
0x70: {  	[bflag:$0x0] =	sbarrier.arrive $0xFFFF  }
0x71: {  	p0 =	sne.s32 s0, $0x0;
	_ =	strace $0x90000047  }
0x72: {  	s0 =	sadd.s32 @!p0 $0x100000, s1;
	[bflag:$0x2] =	sbarrier.arrive $0xFFFF  }
0x73: {  	[sflag:s0] =	ssyncadd.tile.s32 @!p0 $0x1;
	_ =	shalt  }
.Lfunc_end2:
_tile_overlayer_lowered:
.L_overlay_start_2:
0x74: {  	(tag) =	ssettag $0x2  }
0x75: {  	s0 =	rddreg [dreg:$0x0];
	s2 =	stileid.u32  }
0x76: {  	s1 =	rddreg [dreg:$0x1];
	p0 =	sne.s32 s2, $0x0  }
0x77: {  	s3 =	rddreg [dreg:$0x2];
	[bflag:$0x3] =	sbarrier.arrive $0xFFFF;
	s2 =	simm.s32 @!p0 $0x1C06  }
0x78: {  	[timem:s3], [sflag:s2] =	dma.local @!p0 [hbm:s0], s1  }
0x79: {  	s0 =	simm.s32 @!p0 $0x6  }
0x7a: {  	_ =	swait.ge @!p0 [sflag:s0], s1  }
0x7b: {  	s1 =	ssub.s32 @!p0 $0x0, s1;
	[sflag:s0] =	ssyncset.done @!p0 $0x0  }
0x7c: {  	[sflag:s0] =	ssyncadd.s32 @!p0 s1  }
0x7d: {  	[bflag:$0x3] =	sbarrier.arrive $0xFFFF  }
0x7e: {  	_ =	shalt  }

// kernel: kernel.9.cloned.1.call-start
scs
__scs_entry_jumppad:
0x0: {  	(pc) =	sbr.rel $0x88, $3  }
0x1: {  	(tag) =	ssettag $0x0;
	lr =	simm.s32 $0x1  }
0x2: {  	[smem:$0x3F9D] =	sst lr;
	_ =	strace $0xD0000000  }
0x3: {  	_ = 	snop  }
0x4: {  	_ = 	snop  }
0x5: {  	_ = 	snop  }
0x6: {  	_ = 	snop  }
0x7: {  	_ = 	snop  }
__scs_overlays_trampoline_lowered:
0x8: {  	[smem:$0x3FAC] =	sst s0  }
0x9: {  	[smem:$0x3FAD] =	sst s1  }
0xa: {  	[smem:$0x3FAE] =	sst s2  }
0xb: {  	[smem:$0x3FAF] =	sst s3  }
0xc: {  	[smem:$0x3FB0] =	sst s4  }
0xd: {  	[smem:$0x3FB1] =	sst s5  }
0xe: {  	[smem:$0x3FB2] =	sst s6  }
0xf: {  	[smem:$0x3FB3] =	sst s7  }
0x10: {  	[smem:$0x3FB4] =	sst s8  }
0x11: {  	[smem:$0x3FB5] =	sst s9;
	s0 =	simm.s32 @!p0 $0x0  }
0x12: {  	s1 =	sld [smem:$0x3F9B];
	s0 =	simm.s32 @p0 $0x1  }
0x13: {  	[smem:$0x3FB6] =	sst s0;
	s0 =	simm.s32 @!p1 $0x0  }
0x14: {  	s2 =	sld [smem:$0x3F9A];
	s0 =	simm.s32 @p1 $0x1  }
0x15: {  	[smem:$0x3FB7] =	sst s0;
	s0 =	simm.s32 @!p2 $0x0  }
0x16: {  	s3 =	sld [smem:$0x3FDB];
	s0 =	simm.s32 @p2 $0x1  }
0x17: {  	s4 =	simm.s32 $0x1BF5;
	[smem:$0x3FB9] =	sst s0  }
0x18: {  	s0 =	sld [smem:$0x3F9C];
	_ =	swait.ge [sflag:s4], $0x0  }
0x19: {  	s7 =	sld [smem:$0x3F9D]  }
0x1a: {  	s8 =	sadd.s32 $0xFFFFE003, lr  }
0x1b: {  	s9 =	sadd.s32 $0xFFFFFEF7, lr;
	s5 =	simm.s32 $0xFFFFFFFF;
	p2 =	slt.u32 s8, $0xFFFFF086  }
0x1c: {  	p1 =	slt.u32 s9, $0xF7A;
	s5 =	simm.s32 @!p2 $0x0  }
0x1d: {  	s5 =	simm.s32 @p1 $0x1;
	p0 =	seq.s32 s7, s2  }
0x1e: {  	s7 =	smul.u32 @!p0 $0xF7A, s2;
	p2 =	seq.s32 @!p0 s5, $0x0  }
0x1f: {  	s9 =	smul.u32 $0xF7A, s1;
	s8 =	simm.s32 @!p0 $0x1BF5;
	p2 =	por !p2, p0  }
0x20: {  	[sflag:s8] =	ssyncset.s32 @!p0 $0xFFFFF086;
	s6 =	sadd.s32 @!p0 s3, s7;
	s7 =	simm.s32 @!p0 $0x108  }
0x21: {  	s3 =	sadd.s32 s3, s9;
	s6 =	sadd.s32 @!p0 $0x88, s6;
	s7 =	simm.s32 @p2 $0x1082  }
0x22: {  	[simem:s7], [sflag:s8] =	dma.local @!p0 [hbm:s6], $0xF7A  }
0x23: {  	s9 =	sor.u32 $0xD0000000, s2;
	s6 =	simm.s32 $0x108;
	_ =	swait.ge @!p0 [sflag:s8], $0x0  }
0x24: {  	s3 =	sadd.s32 $0x88, s3;
	s6 =	simm.s32 @!p1 $0x1082;
	[sflag:s4] =	ssyncset.s32 $0xFFFFF086  }
0x25: {  	[simem:s6], [sflag:s4] =	dma.local [hbm:s3], $0xF7A  }
0x26: {  	[smem:$0x3F9D] =	sst s1;
	(tag) =	ssettag s2;
	_ =	strace s9  }
0x27: {  	s1 =	sld [smem:$0x3FAD]  }
0x28: {  	s2 =	sld [smem:$0x3FAE]  }
0x29: {  	s4 =	sld [smem:$0x3FB0]  }
0x2a: {  	p0 =	seq.s32 s5, $0x0;
	s5 =	sld [smem:$0x3FB1]  }
0x2b: {  	s6 =	sld [smem:$0x3FB2]  }
0x2c: {  	s7 =	sld [smem:$0x3FB3]  }
0x2d: {  	s3 =	simm.s32 $0x108;
	s8 =	sld [smem:$0x3FB4]  }
0x2e: {  	s3 =	simm.s32 @!p0 $0x1082;
	s9 =	sld [smem:$0x3FB5]  }
0x2f: {  	lr =	sadd.s32 s0, s3;
	s0 =	sld [smem:$0x3FAC]  }
0x30: {  	s3 =	sld [smem:$0x3FAF]  }
0x31: {  	[smem:$0x3FB8] =	sst s10  }
0x32: {  	s10 =	sld [smem:$0x3FB6];
	_ =	sdelay $0x3  }
0x33: {  	p0 =	seq.s32 s10, $0x1;
	s10 =	sld [smem:$0x3FB8];
	_ =	sdelay $0x3  }
0x34: {  	[smem:$0x3FB8] =	sst s10  }
0x35: {  	s10 =	sld [smem:$0x3FB7];
	_ =	sdelay $0x3  }
0x36: {  	p1 =	seq.s32 s10, $0x1;
	s10 =	sld [smem:$0x3FB8];
	_ =	sdelay $0x3  }
0x37: {  	[smem:$0x3FB8] =	sst s10  }
0x38: {  	s10 =	sld [smem:$0x3FB9]  }
0x39: {  	_ = 	snop;
	(pc) =	sbr.ind lr, $3  }
0x3a: {  	_ = 	snop  }
0x3b: {  	_ = 	snop  }
0x3c: {  	p2 =	seq.s32 s10, $0x1;
	s10 =	sld [smem:$0x3FB8]  }
0x3d: {  	_ =	shalt  }
0x3e: {  	_ =	shalt  }
0x3f: {  	_ =	shalt  }
0x40: {  	_ =	shalt  }
0x41: {  	_ =	shalt  }
0x42: {  	_ =	shalt  }
0x43: {  	_ =	shalt  }
0x44: {  	_ =	shalt  }
0x45: {  	_ =	shalt  }
0x46: {  	_ =	shalt  }
0x47: {  	_ =	shalt  }
0x48: {  	_ =	shalt  }
0x49: {  	_ =	shalt  }
0x4a: {  	_ =	shalt  }
0x4b: {  	_ =	shalt  }
0x4c: {  	_ =	shalt  }
0x4d: {  	_ =	shalt  }
0x4e: {  	_ =	shalt  }
0x4f: {  	_ =	shalt  }
0x50: {  	_ =	shalt  }
0x51: {  	_ =	shalt  }
0x52: {  	_ =	shalt  }
0x53: {  	_ =	shalt  }
0x54: {  	_ =	shalt  }
0x55: {  	_ =	shalt  }
0x56: {  	_ =	shalt  }
0x57: {  	_ =	shalt  }
0x58: {  	_ =	shalt  }
0x59: {  	_ =	shalt  }
0x5a: {  	_ =	shalt  }
0x5b: {  	_ =	shalt  }
0x5c: {  	_ =	shalt  }
0x5d: {  	_ =	shalt  }
0x5e: {  	_ =	shalt  }
0x5f: {  	_ =	shalt  }
0x60: {  	_ =	shalt  }
0x61: {  	_ =	shalt  }
0x62: {  	_ =	shalt  }
0x63: {  	_ =	shalt  }
0x64: {  	_ =	shalt  }
0x65: {  	_ =	shalt  }
0x66: {  	_ =	shalt  }
0x67: {  	_ =	shalt  }
0x68: {  	_ =	shalt  }
0x69: {  	_ =	shalt  }
0x6a: {  	_ =	shalt  }
0x6b: {  	_ =	shalt  }
0x6c: {  	_ =	shalt  }
0x6d: {  	_ =	shalt  }
0x6e: {  	_ =	shalt  }
0x6f: {  	_ =	shalt  }
0x70: {  	_ =	shalt  }
0x71: {  	_ =	shalt  }
0x72: {  	_ =	shalt  }
0x73: {  	_ =	shalt  }
0x74: {  	_ =	shalt  }
0x75: {  	_ =	shalt  }
0x76: {  	_ =	shalt  }
0x77: {  	_ =	shalt  }
0x78: {  	_ =	shalt  }
0x79: {  	_ =	shalt  }
0x7a: {  	_ =	shalt  }
0x7b: {  	_ =	shalt  }
0x7c: {  	_ =	shalt  }
0x7d: {  	_ =	shalt  }
0x7e: {  	_ =	shalt  }
0x7f: {  	_ =	shalt  }
0x80: {  	_ =	shalt  }
0x81: {  	_ =	shalt  }
0x82: {  	_ =	shalt  }
0x83: {  	_ =	shalt  }
0x84: {  	_ =	shalt  }
0x85: {  	_ =	shalt  }
0x86: {  	_ =	shalt  }
0x87: {  	_ =	shalt  }
.Lfunc_end0:
.L_simem_size_0:
called_computation.1_lowered:
.L_overlay_start_0:
0x88: {  	s2 =	sld [smem:$0x3FD9]  }
0x89: {  	s3 =	sld [smem:$0x3FFE];
	_ =	sdelay $0x1  }
0x8a: {  	s1 =	srdreg.scid  }
0x8b: {  	s0 =	sand.u32 $0x1, s1  }
0x8c: {  	s17 =	sshll.u32 s0, $0xA;
	s2 =	sadd.s32 s3, s2  }
0x8d: {  	s2 =	sadd.s32 s2, s17  }
0x8e: {  	[smem:$0x3FC4] =	sst s2  }
0x8f: {  	_ = 	snop  }
0x90: {  	s2 =	sld [smem:$0x3FD0];
	(tm) =	ssettm $0x1  }
0x91: {  	s18 =	sld [smem:$0x3FFB];
	_ =	sdelay $0x3  }
0x92: {  	_ =	strace s18  }
0x93: {  	s3 =	sld [smem:$0x3FFC];
	_ =	sdelay $0x3  }
0x94: {  	_ =	strace s3  }
0x95: {  	s3 =	sld [smem:$0x3FFD];
	_ =	sdelay $0x3  }
0x96: {  	_ =	strace s3  }
0x97: {  	_ =	strace $0x8FFFFFFF  }
0x98: {  	s19 =	sld [smem:$0x3FDB];
	_ =	sdelay $0x1  }
0x99: {  	s4 =	simm.s32 $_scs_section_size  }
0x9a: {  	s5 =	simm.s32 $_size__tile_overlayer_lowered;
	s6 =	simm.s32 $_tile_overlayer_lowered  }
0x9b: {  	s22 =	simm.s32 $0x1BFF;
	s21 =	sshll.u32 s6, $0x1;
	s3 =	sadd.s32 s4, s19  }
0x9c: {  	s7 =	simm.s32 $0x0;
	s20 =	sshll.u32 s5, $0x1;
	s5 =	sadd.s32 s21, s3  }
0x9d: {  	[timem:s7], [sflag:s22] =	dma.local [hbm:s5], s20  }
0x9e: {  	_ =	swait.ge [sflag:s22], s20  }
0x9f: {  	s4 =	ssub.s32 $0x0, s20;
	[sflag:s22] =	ssyncset.done $0x0  }
0xa0: {  	[sflag:s22] =	ssyncadd.s32 s4;
	_ =	sdelay $0x1  }
0xa1: {  	s23 =	simm.s32 $0x1B8B  }
0xa2: {  	_ =	swait.ge [sflag:s23], $0x1  }
0xa3: {  	[sflag:s23] =	ssyncset.done $0x0  }
0xa4: {  	s25 =	simm.s32 $0x1B8E;
	s24 =	sld [smem:$0x3FFE];
	[sflag:s23] =	ssyncadd.s32 $0xFFFFFFFF  }
0xa5: {  	s26 =	simm.s32 $execute0_lowered;
	[smem:$0x3FD2] =	sst s25  }
0xa6: {  	s5 =	sshll.u32 s26, $0x1;
	_ =	strace $0x80000049;
	[dreg:$0x1] =	wrdreg $0xFFFFFFFF  }
0xa7: {  	s28 =	simm.s32 $_size_execute0_lowered;
	s3 =	sadd.s32 s3, s5;
	[dreg:$0x0] =	wrdreg $0x0  }
0xa8: {  	s5 =	sshll.u32 s28, $0x1;
	[dreg:$0x2] =	wrdreg s3  }
0xa9: {  	[dreg:$0x3] =	wrdreg s5  }
0xaa: {  	[dreg:$0x4] =	wrdreg $0xC0  }
0xab: {  	_ =	task [dreg:s7], $0x5FFFF  }
0xac: {  	[dreg:$0x1] =	wrdreg $0xFFFFFFFF  }
0xad: {  	[dreg:$0x0] =	wrdreg $0x60  }
0xae: {  	[dreg:$0x2] =	wrdreg s2  }
0xaf: {  	[dreg:$0x3] =	wrdreg s24  }
0xb0: {  	[dreg:$0x4] =	wrdreg $0xA4000  }
0xb1: {  	[dreg:$0x5] =	wrdreg $0x9  }
0xb2: {  	_ =	task.clear_ibuf [dreg:s7], $0x6FFFF;
	_ =	strace $0x90000049  }
0xb3: {  	s29 =	simm.s32 $0x9;
	_ =	strace $0x8000004B  }
0xb4: {  	_ =	swait.ge [sflag:s29], $0x1  }
0xb5: {  	[sflag:s29] =	ssyncadd.s32 $0xFFFFFFFF  }
0xb6: {  	_ =	strace $0x9000004B  }
0xb7: {  	_ =	sfence  }
0xb8: {  	s30 =	sld [smem:$0x0];
	_ =	sdelay $0x2  }
0xb9: {  	s31 =	sshll.u32 s1, $0xD;
	s1 =	sshrl.u32 s1, $0x2  }
0xba: {  	s3 =	sand.u32 $0x4000, s31;
	s1 =	sadd.s32 s1, s30  }
0xbb: {  	s0 =	sor.u32 s3, s0;
	s1 =	sshll.u32 s1, $0x11  }
0xbc: {  	s0 =	sor.u32 s1, s0  }
0xbd: {  	s0 =	sadd.s32 $0x8F2B, s0  }
0xbe: {  	[sflag:s0] =	ssyncadd.remote.s32 $0x1  }
0xbf: {  	_ =	sfence.sel $0xFFFF  }
0xc0: {  	[dreg:$0x0] =	wrdreg $0xFFFFFFFF;
	(pc) =	sbr.abs _section_cstart, $3  }
0xc1: {  	[dreg:$0x1] =	wrdreg $0xFFFFFFFF  }
0xc2: {  	_ =	task.clear_ibuf [dreg:s7], $0x2FFFF;
	_ =	strace $0x9FFFFFFF  }
0xc3: {  	(tm) =	ssettm $0x7FFFFFFF  }
tec
execute0_lowered:
.L_overlay_start_1:
0x0: {  	(tag) =	ssettag $0x1  }
0x1: {  	s1 =	rddreg [dreg:$0x0]  }
0x2: {  	s0 =	rddreg [dreg:$0x1]  }
0x3: {  	s3 =	rddreg [dreg:$0x2];
	s2 =	srdreg.scid  }
0x4: {  	s11 =	stileid.u32;
	s4 =	simm.s32 $0x0;
	s31 =	simm.s32 $0x80  }
0x5: {  	s28 =	simm.s32 $0x8;
	s2 =	sand.u32 $0x1, s2;
	s5 =	smul.u32 $0x2800, s11  }
0x6: {  	[smem:$0x7FF] =	sst s4;
	s29 =	sadd.s32 $0x1C00, s0;
	s14 =	smul.u32 $0x50000, s11  }
0x7: {  	s30 =	sadd.s32 $0xBA00, s0;
	s6 =	sshll.u32 s2, $0x4;
	s7 =	smul.u32 $0x28000, s2  }
0x8: {  	_ =	strace $0x8000004A;
	s10 =	ssub.s32 $0x2, s2;
	s2 =	smul.u32 $0x27100, s2  }
0x9: {  	s6 =	sor.u32 s11, s6;
	s12 =	sshrl.u32 s10, $0x1;
	s11 =	smul.u32 $0x2710, s11  }
0xa: {  	s8 =	smul.u32 $0x2710, s6;
	s5 =	sadd.s32 s5, s7;
	s7 =	sshrl.u32 s14, $0x2  }
0xb: {  	s0 =	sadd.s32 s5, s0;
	s5 =	ssub.s32 s10, s12;
	s6 =	sadd.s32 s7, s3  }
0xc: {  	s2 =	sadd.s32 s11, s2;
	s23 =	sadd.s32 $0x2800, s6;
	[dreg:$0x11] =	wrdreg s6  }
0xd: {  	s8 =	sshrl.u32 s8, $0x3;
	s24 =	sadd.s32 $0x5000, s6;
	[dreg:$0x13] =	wrdreg s23  }
0xe: {  	s22 =	sadd.s32 $0x230, s2;
	s0 =	sadd.s32 $0x65800, s0;
	[dreg:$0x14] =	wrdreg s24  }
0xf: {  	s26 =	sadd.s32 $0x1E0, s2;
	s13 =	sadd.s32 s29, s8;
	[dreg:$0x1a] =	wrdreg s0  }
0x10: {  	s15 =	sadd.s32 s30, s8;
	s9 =	sadd.s32 $0xA, s8;
	[dreg:$0xa] =	wrdreg s13  }
0x11: {  	s10 =	sadd.s32 $0x14, s8;
	s23 =	smax.u32 s5, $0x1;
	[dreg:$0xb] =	wrdreg s15  }
0x12: {  	s20 =	sadd.s32 $0x1E, s8;
	s24 =	sadd.s32 $0x140, s2;
	[dreg:$0x1b] =	wrdreg s23  }
0x13: {  	s11 =	sshrl.u32 s26, $0x3;
	s26 =	sadd.s32 $0x11800, s6;
	[dreg:$0x1c] =	wrdreg s24  }
0x14: {  	s7 =	sshrl.u32 s22, $0x3;
	s16 =	sadd.s32 s29, s9;
	[dreg:$0x1e] =	wrdreg s26  }
0x15: {  	s8 =	sadd.s32 $0x4D8, s8;
	s17 =	sadd.s32 s30, s9;
	[dreg:$0xc] =	wrdreg s16  }
0x16: {  	s0 =	simm.s32 $0x200;
	s18 =	sadd.s32 s29, s10;
	[dreg:$0xd] =	wrdreg s17  }
0x17: {  	s19 =	sadd.s32 s30, s10;
	s21 =	sadd.s32 s29, s20;
	[dreg:$0xe] =	wrdreg s18  }
0x18: {  	s9 =	sadd.s32 s30, s20;
	s25 =	sadd.s32 s7, s30;
	[dreg:$0xf] =	wrdreg s19  }
0x19: {  	s7 =	sadd.s32 s7, s29;
	s12 =	sadd.s32 s11, s30;
	[dreg:$0x10] =	wrdreg s21  }
0x1a: {  	s13 =	sadd.s32 $0x190, s2;
	s14 =	sadd.s32 s11, s29;
	[dreg:$0x12] =	wrdreg s9  }
0x1b: {  	s20 =	sadd.s32 $0xC800, s6;
	s22 =	sadd.s32 s30, s8;
	[dreg:$0x4] =	wrdreg s25  }
0x1c: {  	s2 =	simm.s32 $0x280;
	s11 =	simm.s32 $0x180;
	[dreg:$0x5] =	wrdreg s7  }
0x1d: {  	s10 =	simm.s32 $0x50;
	s23 =	simm.s32 $0x6;
	[dreg:$0x6] =	wrdreg s12  }
0x1e: {  	s24 =	simm.s32 $0xA;
	s26 =	simm.s32 $0x7;
	[dreg:$0x7] =	wrdreg s14  }
0x1f: {  	s15 =	sshrl.u32 s13, $0x3;
	s16 =	sadd.s32 $0x7800, s6;
	[dreg:$0x17] =	wrdreg s20  }
0x20: {  	s18 =	sadd.s32 $0xA000, s6;
	s21 =	sadd.s32 s29, s8;
	[dreg:$0x19] =	wrdreg s22  }
0x21: {  	s25 =	sadd.s32 $0xF000, s6;
	s7 =	simm.s32 $0x100;
	s8 =	simm.s32 $0x300  }
0x22: {  	s13 =	simm.s32 $0x380;
	s9 =	simm.s32 $0x1;
	s12 =	simm.s32 $0x2  }
0x23: {  	s6 =	simm.s32 $0x2C00;
	s20 =	simm.s32 $0x9;
	[dreg:$0x15] =	wrdreg s16  }
0x24: {  	s22 =	simm.s32 $0x4;
	s14 =	simm.s32 $0x0;
	[dreg:$0x16] =	wrdreg s18  }
0x25: {  	s17 =	sadd.s32 s15, s30;
	s19 =	sadd.s32 s15, s29;
	[dreg:$0x18] =	wrdreg s21  }
0x26: {  	[dreg:$0x1d] =	wrdreg s25;
	s15 =	simm.s32 $0x400;
	s18 =	simm.s32 $0x3  }
0x27: {  	s25 =	simm.s32 $0xC;
	s21 =	simm.s32 $0x9;
	[dreg:$0x8] =	wrdreg s17  }
0x28: {  	v0 =	vimm.f32 $0.0e+00;
	[dreg:$0x9] =	wrdreg s19;
	s19 =	simm.s32 $0xD;
	s17 =	simm.s32 $0x5  }
.LBB2_1:
0x29: {  	[dreg:$0x1f] =	wrdreg s14  }
0x2a: {  	s5 =	rddreg [dreg:$0xa]  }
0x2b: {  	[tilespmem:s4], [sflag:$0x1] =	stream.linear.gather [hbm4b:s5+s4], $0x50, $0x38;
	[tilespmem:$0x1E400] =	vst v63  }
0x2c: {  	s16 =	rddreg [dreg:$0xb]  }
0x2d: {  	[tilespmem:s0], [sflag:$0x1] =	stream.linear.gather [hbm4b:s16+s4], $0x50, $0x38;
	[tilespmem:$0x1E400] =	vst v63  }
0x2e: {  	s0 =	rddreg [dreg:$0xc]  }
0x2f: {  	[tilespmem:s31], [sflag:$0x2] =	stream.linear.gather [hbm4b:s0+s4], $0x50, $0x38;
	[tilespmem:$0x1E400] =	vst v63  }
0x30: {  	s14 =	rddreg [dreg:$0xd]  }
0x31: {  	[tilespmem:s2], [sflag:$0x2] =	stream.linear.gather [hbm4b:s14+s4], $0x50, $0x38;
	[tilespmem:$0x1E400] =	vst v63  }
0x32: {  	s16 =	rddreg [dreg:$0xe]  }
0x33: {  	[tilespmem:s7], [sflag:$0x3] =	stream.linear.gather [hbm4b:s16+s4], $0x50, $0x38;
	[tilespmem:$0x1E400] =	vst v63  }
0x34: {  	s0 =	rddreg [dreg:$0xf]  }
0x35: {  	[tilespmem:s8], [sflag:$0x3] =	stream.linear.gather [hbm4b:s0+s4], $0x50, $0x38;
	[tilespmem:$0x1E400] =	vst v63  }
0x36: {  	s14 =	rddreg [dreg:$0x10]  }
0x37: {  	[tilespmem:s11], [sflag:$0x4] =	stream.linear.gather [hbm4b:s14+s4], $0x50, $0x38;
	[tilespmem:$0x1E400] =	vst v63  }
0x38: {  	s16 =	rddreg [dreg:$0x12]  }
0x39: {  	[tilespmem:s13], [sflag:$0x4] =	stream.linear.gather [hbm4b:s16+s4], $0x50, $0x38;
	[tilespmem:$0x1E400] =	vst v63  }
0x3a: {  	_ =	swait.ge [sflag:s9], $0x50  }
0x3b: {  	[sflag:s9] =	ssyncset.done $0x0  }
0x3c: {  	[sflag:s9] =	ssyncadd.s32 $0xFFFFFFB0  }
0x3d: {  	_ =	swait.ge [sflag:s9], $0x50  }
0x3e: {  	[sflag:s9] =	ssyncset.done $0x0  }
0x3f: {  	[sflag:s9] =	ssyncadd.s32 $0xFFFFFFB0  }
0x40: {  	[tilespmem:s15], [sflag:$0x5] =	stream.indirect.gather [hbm4b:s1+s10], $0x80, s4, s10, $0xb8;
	[tilespmem:$0x1E400] =	vst v63  }
0x41: {  	_ =	swait.ge [sflag:s12], $0x50  }
0x42: {  	[sflag:s12] =	ssyncset.done $0x0  }
0x43: {  	[sflag:s12] =	ssyncadd.s32 $0xFFFFFFB0  }
0x44: {  	_ =	swait.ge [sflag:s12], $0x50  }
0x45: {  	[sflag:s12] =	ssyncset.done $0x0  }
0x46: {  	s0 =	sand.u32 $0xFE00, s4;
	[sflag:s12] =	ssyncadd.s32 $0xFFFFFFB0  }
0x47: {  	[tilespmem:s6], [sflag:$0x6] =	stream.indirect.gather [hbm4b:s1+s10], $0x80, s31, s10, $0xb8;
	[tilespmem:$0x1E400] =	vst v63  }
0x48: {  	s16 =	sshrl.u32 s0, $0x2;
	s6 =	sand.u32 $0x70, s4  }
0x49: {  	s5 =	simm.s32 $0x40;
	s14 =	simm.s32 $0x0;
	s16 =	sor.u32 s6, s16  }
.LBB2_2:
0x4a: {  	p0 =	sne.s32 s5, $0x9FC0  }
0x4b: {  	[tilespmem:s16+$0x7C00] =	vst v0;
	s14 =	sadd.s32 $0x10, s14;
	s16 =	smov.u32 s5;
	s5 =	sadd.s32 $0x40, s5  }
.Ltmp0:
0x4c: {  	(pc) =	sbr.rel @p0 .LBB2_2-.Ltmp0, $4  }
0x4d: {  	_ = 	snop  }
0x4e: {  	s16 =	sand.u32 $0xFE00, s16  }
0x4f: {  	s6 =	sand.u32 $0x70, s14;
	s16 =	sshrl.u32 s16, $0x2  }
0x50: {  	s16 =	sor.u32 s6, s16  }
0x51: {  	[tilespmem:s16+$0x7C00] =	vst v0;
	s5 =	rddreg [dreg:$0x11];
	s14 =	simm.s32 $0x7C00  }
0x52: {  	[spmem:s5] =	stream.linear.scatter [tilespmem:s14], [sflag:$0xD], $0x2800, $0x38;
	[tilespmem:$0x1E400] =	vst v63  }
0x53: {  	_ =	swait.ge [sflag:s19], $0x2800  }
0x54: {  	[sflag:s19] =	ssyncset.done $0x0  }
0x55: {  	s0 =	rddreg [dreg:$0x13];
	[sflag:s19] =	ssyncadd.s32 $0xFFFFD800  }
0x56: {  	[spmem:s0] =	stream.linear.scatter [tilespmem:s14], [sflag:$0xD], $0x2800, $0x38;
	[tilespmem:$0x1E400] =	vst v63  }
0x57: {  	_ =	swait.ge [sflag:s19], $0x2800  }
0x58: {  	[sflag:s19] =	ssyncset.done $0x0  }
0x59: {  	s6 =	rddreg [dreg:$0x14];
	[sflag:s19] =	ssyncadd.s32 $0xFFFFD800  }
0x5a: {  	[spmem:s6] =	stream.linear.scatter [tilespmem:s14], [sflag:$0xD], $0x2800, $0x38;
	[tilespmem:$0x1E400] =	vst v63  }
0x5b: {  	_ =	swait.ge [sflag:s19], $0x2800  }
0x5c: {  	[sflag:s19] =	ssyncset.done $0x0  }
0x5d: {  	s16 =	rddreg [dreg:$0x15];
	[sflag:s19] =	ssyncadd.s32 $0xFFFFD800  }
0x5e: {  	[spmem:s16] =	stream.linear.scatter [tilespmem:s14], [sflag:$0xD], $0x2800, $0x38;
	[tilespmem:$0x1E400] =	vst v63  }
0x5f: {  	_ =	swait.ge [sflag:s19], $0x2800  }
0x60: {  	[sflag:s19] =	ssyncset.done $0x0  }
0x61: {  	s0 =	rddreg [dreg:$0x16];
	[sflag:s19] =	ssyncadd.s32 $0xFFFFD800  }
0x62: {  	[spmem:s0] =	stream.linear.scatter [tilespmem:s14], [sflag:$0xD], $0x2800, $0x38;
	[tilespmem:$0x1E400] =	vst v63  }
0x63: {  	_ =	swait.ge [sflag:s19], $0x2800  }
0x64: {  	[sflag:s19] =	ssyncset.done $0x0  }
0x65: {  	s6 =	rddreg [dreg:$0x17];
	[sflag:s19] =	ssyncadd.s32 $0xFFFFD800  }
0x66: {  	[spmem:s6] =	stream.linear.scatter [tilespmem:s14], [sflag:$0xD], $0x2800, $0x38;
	[tilespmem:$0x1E400] =	vst v63  }
0x67: {  	_ =	swait.ge [sflag:s19], $0x2800  }
0x68: {  	[sflag:s19] =	ssyncset.done $0x0  }
0x69: {  	s16 =	rddreg [dreg:$0x1d];
	[sflag:s19] =	ssyncadd.s32 $0xFFFFD800  }
0x6a: {  	[spmem:s16] =	stream.linear.scatter [tilespmem:s14], [sflag:$0xD], $0x2800, $0x38;
	[tilespmem:$0x1E400] =	vst v63  }
0x6b: {  	_ =	swait.ge [sflag:s19], $0x2800  }
0x6c: {  	[sflag:s19] =	ssyncset.done $0x0  }
0x6d: {  	s0 =	rddreg [dreg:$0x1e];
	[sflag:s19] =	ssyncadd.s32 $0xFFFFD800  }
0x6e: {  	[spmem:s0] =	stream.linear.scatter [tilespmem:s14], [sflag:$0xD], $0x2800, $0x38;
	[tilespmem:$0x1E400] =	vst v63  }
0x6f: {  	_ =	swait.ge [sflag:s19], $0x2800  }
0x70: {  	[sflag:s19] =	ssyncset.done $0x0  }
0x71: {  	[sflag:s19] =	ssyncadd.s32 $0xFFFFD800  }
0x72: {  	[bflag:$0x0] =	sbarrier.arrive $0xFFFF  }
0x73: {  	_ =	swait.ge [sflag:s17], $0x2800  }
0x74: {  	[sflag:s17] =	ssyncset.done $0x0  }
0x75: {  	s0 =	simm.s32 $0x200;
	[sflag:s17] =	ssyncadd.s32 $0xFFFFD800  }
0x76: {  	[spmem:s3] =	stream.indirect.scatter [tilespmem:s15], [sflag:$0x9], $0x80, s0, s10, $0xb8;
	[tilespmem:$0x1E400] =	vst v63  }
0x77: {  	_ =	swait.ge [sflag:s18], $0x50  }
0x78: {  	[sflag:s18] =	ssyncset.done $0x0  }
0x79: {  	[sflag:s18] =	ssyncadd.s32 $0xFFFFFFB0  }
0x7a: {  	_ =	swait.ge [sflag:s18], $0x50  }
0x7b: {  	[sflag:s18] =	ssyncset.done $0x0  }
0x7c: {  	s19 =	simm.s32 $0x5400;
	[sflag:s18] =	ssyncadd.s32 $0xFFFFFFB0  }
0x7d: {  	[tilespmem:s19], [sflag:$0x7] =	stream.indirect.gather [hbm4b:s1+s10], $0x80, s7, s10, $0xb8;
	[tilespmem:$0x1E400] =	vst v63  }
0x7e: {  	_ =	swait.ge [sflag:s20], $0x2800  }
0x7f: {  	s16 =	rddreg [dreg:$0x1c]  }
0x80: {  	[sflag:s20] =	ssyncset.done $0x0;
	s5 =	sshrl.u32 s16, $0x3  }
0x81: {  	[sflag:s20] =	ssyncadd.s32 $0xFFFFD800;
	s6 =	sadd.s32 s29, s5  }
0x82: {  	[tilespmem:s4], [sflag:$0x1] =	stream.linear.gather [hbm4b:s6+s4], $0x50, $0x38;
	[tilespmem:$0x1E400] =	vst v63  }
0x83: {  	s5 =	sadd.s32 s30, s5  }
0x84: {  	[tilespmem:s0], [sflag:$0x1] =	stream.linear.gather [hbm4b:s5+s4], $0x50, $0x38;
	[tilespmem:$0x1E400] =	vst v63  }
0x85: {  	_ =	swait.ge [sflag:s23], $0x2800  }
0x86: {  	[sflag:s23] =	ssyncset.done $0x0  }
0x87: {  	s0 =	simm.s32 $0x2C00;
	[sflag:s23] =	ssyncadd.s32 $0xFFFFD800  }
0x88: {  	[spmem:s3] =	stream.indirect.scatter [tilespmem:s0], [sflag:$0xA], $0x80, s2, s10, $0xb8;
	[tilespmem:$0x1E400] =	vst v63  }
0x89: {  	_ =	swait.ge [sflag:s22], $0x50  }
0x8a: {  	[sflag:s22] =	ssyncset.done $0x0  }
0x8b: {  	[sflag:s22] =	ssyncadd.s32 $0xFFFFFFB0  }
0x8c: {  	_ =	swait.ge [sflag:s22], $0x50  }
0x8d: {  	[sflag:s22] =	ssyncset.done $0x0  }
0x8e: {  	[sflag:s22] =	ssyncadd.s32 $0xFFFFFFB0  }
0x8f: {  	[tilespmem:s14], [sflag:$0x8] =	stream.indirect.gather [hbm4b:s1+s10], $0x80, s11, s10, $0xb8;
	[tilespmem:$0x1E400] =	vst v63  }
0x90: {  	_ =	swait.ge [sflag:s24], $0x2800  }
0x91: {  	s6 =	rddreg [dreg:$0x9];
	[sflag:s24] =	ssyncset.done $0x0  }
0x92: {  	s20 =	rddreg [dreg:$0x8];
	[sflag:s24] =	ssyncadd.s32 $0xFFFFD800;
	s5 =	sadd.s32 $0x0, s6  }
0x93: {  	[tilespmem:s31], [sflag:$0x2] =	stream.linear.gather [hbm4b:s5+s4], $0x50, $0x38;
	[tilespmem:$0x1E400] =	vst v63  }
0x94: {  	s6 =	sadd.s32 $0x0, s20  }
0x95: {  	[tilespmem:s2], [sflag:$0x2] =	stream.linear.gather [hbm4b:s6+s4], $0x50, $0x38;
	[tilespmem:$0x1E400] =	vst v63  }
0x96: {  	_ =	swait.ge [sflag:s26], $0x2800  }
0x97: {  	[sflag:s26] =	ssyncset.done $0x0  }
0x98: {  	[sflag:s26] =	ssyncadd.s32 $0xFFFFD800  }
0x99: {  	[spmem:s3] =	stream.indirect.scatter [tilespmem:s19], [sflag:$0xB], $0x80, s8, s10, $0xb8;
	[tilespmem:$0x1E400] =	vst v63  }
0x9a: {  	_ =	swait.ge [sflag:s9], $0x50  }
0x9b: {  	[sflag:s9] =	ssyncset.done $0x0  }
0x9c: {  	[sflag:s9] =	ssyncadd.s32 $0xFFFFFFB0  }
0x9d: {  	_ =	swait.ge [sflag:s9], $0x50  }
0x9e: {  	[sflag:s9] =	ssyncset.done $0x0  }
0x9f: {  	[sflag:s9] =	ssyncadd.s32 $0xFFFFFFB0  }
0xa0: {  	[tilespmem:s15], [sflag:$0x5] =	stream.indirect.gather [hbm4b:s1+s10], $0x80, s4, s10, $0xb8;
	[tilespmem:$0x1E400] =	vst v63  }
0xa1: {  	s15 =	simm.s32 $0xB  }
0xa2: {  	_ =	swait.ge [sflag:s15], $0x2800  }
0xa3: {  	s19 =	rddreg [dreg:$0x7];
	[sflag:s15] =	ssyncset.done $0x0  }
0xa4: {  	s20 =	rddreg [dreg:$0x6];
	[sflag:s15] =	ssyncadd.s32 $0xFFFFD800;
	s5 =	sadd.s32 $0x0, s19  }
0xa5: {  	[tilespmem:s7], [sflag:$0x3] =	stream.linear.gather [hbm4b:s5+s4], $0x50, $0x38;
	[tilespmem:$0x1E400] =	vst v63  }
0xa6: {  	s15 =	sadd.s32 $0x0, s20  }
0xa7: {  	[tilespmem:s8], [sflag:$0x3] =	stream.linear.gather [hbm4b:s15+s4], $0x50, $0x38;
	[tilespmem:$0x1E400] =	vst v63  }
0xa8: {  	_ =	swait.ge [sflag:s28], $0x2800  }
0xa9: {  	[sflag:s28] =	ssyncset.done $0x0  }
0xaa: {  	[sflag:s28] =	ssyncadd.s32 $0xFFFFD800  }
0xab: {  	[spmem:s3] =	stream.indirect.scatter [tilespmem:s14], [sflag:$0xC], $0x80, s13, s10, $0xb8;
	[tilespmem:$0x1E400] =	vst v63  }
0xac: {  	_ =	swait.ge [sflag:s12], $0x50  }
0xad: {  	[sflag:s12] =	ssyncset.done $0x0  }
0xae: {  	[sflag:s12] =	ssyncadd.s32 $0xFFFFFFB0  }
0xaf: {  	s16 =	sadd.s32 $0x140, s16;
	_ =	swait.ge [sflag:s12], $0x50  }
0xb0: {  	s2 =	simm.s32 $0x80;
	s7 =	simm.s32 $0x280;
	[sflag:s12] =	ssyncset.done $0x0  }
0xb1: {  	s15 =	simm.s32 $0x380;
	s8 =	simm.s32 $0x100;
	[sflag:s12] =	ssyncadd.s32 $0xFFFFFFB0  }
0xb2: {  	[tilespmem:s0], [sflag:$0x6] =	stream.indirect.gather [hbm4b:s1+s10], $0x80, s31, s10, $0xb8;
	[tilespmem:$0x1E400] =	vst v63  }
0xb3: {  	s14 =	simm.s32 $0x28;
	s13 =	simm.s32 $0x180;
	_ =	swait.ge [sflag:s25], $0x2800  }
0xb4: {  	s31 =	smov.u32 s30;
	s19 =	rddreg [dreg:$0x5];
	[sflag:s25] =	ssyncset.done $0x0  }
0xb5: {  	s20 =	rddreg [dreg:$0x4];
	[sflag:s25] =	ssyncadd.s32 $0xFFFFD800;
	s5 =	sadd.s32 $0x0, s19  }
0xb6: {  	[tilespmem:s11], [sflag:$0x4] =	stream.linear.gather [hbm4b:s5+s4], $0x50, $0x38;
	[tilespmem:$0x1E400] =	vst v63  }
0xb7: {  	s19 =	simm.s32 $0x400;
	s5 =	sadd.s32 $0x0, s20;
	s11 =	simm.s32 $0x300  }
.LBB2_4:
0xb8: {  	[tilespmem:s15], [sflag:$0x4] =	stream.linear.gather [hbm4b:s5+s4], $0x50, $0x38;
	[tilespmem:$0x1E400] =	vst v63  }
0xb9: {  	_ =	swait.ge [sflag:s17], $0x2800  }
0xba: {  	[sflag:s17] =	ssyncset.done $0x0  }
0xbb: {  	[sflag:s17] =	ssyncadd.s32 $0xFFFFD800;
	s17 =	simm.s32 $0x200  }
0xbc: {  	[spmem:s3] =	stream.indirect.scatter [tilespmem:s19], [sflag:$0x9], $0x80, s17, s10, $0xb8;
	[tilespmem:$0x1E400] =	vst v63  }
0xbd: {  	_ =	swait.ge [sflag:s18], $0x50  }
0xbe: {  	[sflag:s18] =	ssyncset.done $0x0  }
0xbf: {  	[sflag:s18] =	ssyncadd.s32 $0xFFFFFFB0  }
0xc0: {  	_ =	swait.ge [sflag:s18], $0x50  }
0xc1: {  	[sflag:s18] =	ssyncset.done $0x0  }
0xc2: {  	s20 =	simm.s32 $0x5400;
	[sflag:s18] =	ssyncadd.s32 $0xFFFFFFB0  }
0xc3: {  	[tilespmem:s20], [sflag:$0x7] =	stream.indirect.gather [hbm4b:s1+s10], $0x80, s8, s10, $0xb8;
	[tilespmem:$0x1E400] =	vst v63  }
0xc4: {  	_ =	swait.ge [sflag:s21], $0x2800  }
0xc5: {  	s6 =	sshrl.u32 s16, $0x3;
	[sflag:s21] =	ssyncset.done $0x0  }
0xc6: {  	s30 =	smov.u32 s29;
	s29 =	sadd.s32 s29, s6;
	[sflag:s21] =	ssyncadd.s32 $0xFFFFD800  }
0xc7: {  	[tilespmem:s4], [sflag:$0x1] =	stream.linear.gather [hbm4b:s29+s4], $0x50, $0x38;
	[tilespmem:$0x1E400] =	vst v63  }
0xc8: {  	s6 =	sadd.s32 s31, s6  }
0xc9: {  	[tilespmem:s17], [sflag:$0x1] =	stream.linear.gather [hbm4b:s6+s4], $0x50, $0x38;
	[tilespmem:$0x1E400] =	vst v63  }
0xca: {  	_ =	swait.ge [sflag:s23], $0x2800  }
0xcb: {  	[sflag:s23] =	ssyncset.done $0x0  }
0xcc: {  	[sflag:s23] =	ssyncadd.s32 $0xFFFFD800  }
0xcd: {  	[spmem:s3] =	stream.indirect.scatter [tilespmem:s0], [sflag:$0xA], $0x80, s7, s10, $0xb8;
	[tilespmem:$0x1E400] =	vst v63  }
0xce: {  	_ =	swait.ge [sflag:s22], $0x50  }
0xcf: {  	[sflag:s22] =	ssyncset.done $0x0  }
0xd0: {  	[sflag:s22] =	ssyncadd.s32 $0xFFFFFFB0  }
0xd1: {  	_ =	swait.ge [sflag:s22], $0x50  }
0xd2: {  	[sflag:s22] =	ssyncset.done $0x0  }
0xd3: {  	s17 =	simm.s32 $0x7C00;
	[sflag:s22] =	ssyncadd.s32 $0xFFFFFFB0  }
0xd4: {  	[tilespmem:s17], [sflag:$0x8] =	stream.indirect.gather [hbm4b:s1+s10], $0x80, s13, s10, $0xb8;
	[tilespmem:$0x1E400] =	vst v63  }
0xd5: {  	_ =	swait.ge [sflag:s24], $0x2800  }
0xd6: {  	s5 =	smov.u32 s14;
	s6 =	rddreg [dreg:$0x9];
	[sflag:s24] =	ssyncset.done $0x0  }
0xd7: {  	s29 =	rddreg [dreg:$0x8];
	[sflag:s24] =	ssyncadd.s32 $0xFFFFD800;
	s6 =	sadd.s32 s5, s6  }
0xd8: {  	[tilespmem:s2], [sflag:$0x2] =	stream.linear.gather [hbm4b:s6+s4], $0x50, $0x38;
	[tilespmem:$0x1E400] =	vst v63  }
0xd9: {  	s6 =	sadd.s32 s5, s29  }
0xda: {  	[tilespmem:s7], [sflag:$0x2] =	stream.linear.gather [hbm4b:s6+s4], $0x50, $0x38;
	[tilespmem:$0x1E400] =	vst v63  }
0xdb: {  	_ =	swait.ge [sflag:s26], $0x2800  }
0xdc: {  	[sflag:s26] =	ssyncset.done $0x0  }
0xdd: {  	[sflag:s26] =	ssyncadd.s32 $0xFFFFD800  }
0xde: {  	[spmem:s3] =	stream.indirect.scatter [tilespmem:s20], [sflag:$0xB], $0x80, s11, s10, $0xb8;
	[tilespmem:$0x1E400] =	vst v63  }
0xdf: {  	_ =	swait.ge [sflag:s9], $0x50  }
0xe0: {  	[sflag:s9] =	ssyncset.done $0x0  }
0xe1: {  	[sflag:s9] =	ssyncadd.s32 $0xFFFFFFB0  }
0xe2: {  	_ =	swait.ge [sflag:s9], $0x50  }
0xe3: {  	[sflag:s9] =	ssyncset.done $0x0  }
0xe4: {  	s20 =	simm.s32 $0xB;
	[sflag:s9] =	ssyncadd.s32 $0xFFFFFFB0  }
0xe5: {  	[tilespmem:s19], [sflag:$0x5] =	stream.indirect.gather [hbm4b:s1+s10], $0x80, s4, s10, $0xb8;
	[tilespmem:$0x1E400] =	vst v63  }
0xe6: {  	_ =	swait.ge [sflag:s20], $0x2800  }
0xe7: {  	s6 =	rddreg [dreg:$0x7];
	[sflag:s20] =	ssyncset.done $0x0  }
0xe8: {  	s29 =	rddreg [dreg:$0x6];
	[sflag:s20] =	ssyncadd.s32 $0xFFFFD800;
	s6 =	sadd.s32 s5, s6  }
0xe9: {  	[tilespmem:s8], [sflag:$0x3] =	stream.linear.gather [hbm4b:s6+s4], $0x50, $0x38;
	[tilespmem:$0x1E400] =	vst v63  }
0xea: {  	s6 =	sadd.s32 s5, s29  }
0xeb: {  	[tilespmem:s11], [sflag:$0x3] =	stream.linear.gather [hbm4b:s6+s4], $0x50, $0x38;
	[tilespmem:$0x1E400] =	vst v63  }
0xec: {  	_ =	swait.ge [sflag:s28], $0x2800  }
0xed: {  	[sflag:s28] =	ssyncset.done $0x0  }
0xee: {  	[sflag:s28] =	ssyncadd.s32 $0xFFFFD800  }
0xef: {  	[spmem:s3] =	stream.indirect.scatter [tilespmem:s17], [sflag:$0xC], $0x80, s15, s10, $0xb8;
	[tilespmem:$0x1E400] =	vst v63  }
0xf0: {  	_ =	swait.ge [sflag:s12], $0x50  }
0xf1: {  	[sflag:s12] =	ssyncset.done $0x0  }
0xf2: {  	[sflag:s12] =	ssyncadd.s32 $0xFFFFFFB0  }
0xf3: {  	_ =	swait.ge [sflag:s12], $0x50  }
0xf4: {  	[sflag:s12] =	ssyncset.done $0x0  }
0xf5: {  	p0 =	sne.s32 s14, $0x488;
	[sflag:s12] =	ssyncadd.s32 $0xFFFFFFB0  }
0xf6: {  	[tilespmem:s0], [sflag:$0x6] =	stream.indirect.gather [hbm4b:s1+s10], $0x80, s2, s10, $0xb8;
	[tilespmem:$0x1E400] =	vst v63  }
.Ltmp1:
0xf7: {  	s14 =	sadd.s32 $0x28, s14;
	_ =	swait.ge [sflag:s25], $0x2800;
	(pc) =	sbr.rel @p0 .LBB2_4-.Ltmp1, $4  }
0xf8: {  	s16 =	sadd.s32 $0x140, s16;
	s6 =	rddreg [dreg:$0x5];
	[sflag:s25] =	ssyncset.done $0x0  }
0xf9: {  	s17 =	simm.s32 $0x5;
	s29 =	rddreg [dreg:$0x4];
	[sflag:s25] =	ssyncadd.s32 $0xFFFFD800  }
0xfa: {  	s6 =	sadd.s32 s5, s6;
	s5 =	sadd.s32 s5, s29;
	s29 =	smov.u32 s30  }
0xfb: {  	[tilespmem:s13], [sflag:$0x4] =	stream.linear.gather [hbm4b:s6+s4], $0x50, $0x38;
	[tilespmem:$0x1E400] =	vst v63  }
0xfc: {  	[tilespmem:s15], [sflag:$0x4] =	stream.linear.gather [hbm4b:s5+s4], $0x50, $0x38;
	[tilespmem:$0x1E400] =	vst v63  }
0xfd: {  	_ =	swait.ge [sflag:s17], $0x2800  }
0xfe: {  	[sflag:s17] =	ssyncset.done $0x0  }
0xff: {  	s2 =	simm.s32 $0x200;
	[sflag:s17] =	ssyncadd.s32 $0xFFFFD800  }
0x100: {  	[spmem:s3] =	stream.indirect.scatter [tilespmem:s19], [sflag:$0x9], $0x80, s2, s10, $0xb8;
	[tilespmem:$0x1E400] =	vst v63  }
0x101: {  	_ =	swait.ge [sflag:s18], $0x50  }
0x102: {  	[sflag:s18] =	ssyncset.done $0x0  }
0x103: {  	[sflag:s18] =	ssyncadd.s32 $0xFFFFFFB0  }
0x104: {  	_ =	swait.ge [sflag:s18], $0x50  }
0x105: {  	[sflag:s18] =	ssyncset.done $0x0  }
0x106: {  	s6 =	simm.s32 $0x5400;
	[sflag:s18] =	ssyncadd.s32 $0xFFFFFFB0  }
0x107: {  	[tilespmem:s6], [sflag:$0x7] =	stream.indirect.gather [hbm4b:s1+s10], $0x80, s8, s10, $0xb8;
	[tilespmem:$0x1E400] =	vst v63  }
0x108: {  	_ =	swait.ge [sflag:s21], $0x2800  }
0x109: {  	[sflag:s21] =	ssyncset.done $0x0  }
0x10a: {  	s14 =	rddreg [dreg:$0x18];
	[sflag:s21] =	ssyncadd.s32 $0xFFFFD800  }
0x10b: {  	[tilespmem:s4], [sflag:$0x1] =	stream.linear.gather [hbm4b:s14+s4], $0x50, $0x38;
	[tilespmem:$0x1E400] =	vst v63  }
0x10c: {  	s16 =	rddreg [dreg:$0x19]  }
0x10d: {  	[tilespmem:s2], [sflag:$0x1] =	stream.linear.gather [hbm4b:s16+s4], $0x50, $0x38;
	[tilespmem:$0x1E400] =	vst v63  }
0x10e: {  	_ =	swait.ge [sflag:s23], $0x2800  }
0x10f: {  	[sflag:s23] =	ssyncset.done $0x0  }
0x110: {  	[sflag:s23] =	ssyncadd.s32 $0xFFFFD800  }
0x111: {  	[spmem:s3] =	stream.indirect.scatter [tilespmem:s0], [sflag:$0xA], $0x80, s7, s10, $0xb8;
	[tilespmem:$0x1E400] =	vst v63  }
0x112: {  	_ =	swait.ge [sflag:s22], $0x50  }
0x113: {  	[sflag:s22] =	ssyncset.done $0x0  }
0x114: {  	[sflag:s22] =	ssyncadd.s32 $0xFFFFFFB0  }
0x115: {  	_ =	swait.ge [sflag:s22], $0x50  }
0x116: {  	[sflag:s22] =	ssyncset.done $0x0  }
0x117: {  	s8 =	simm.s32 $0x7C00;
	[sflag:s22] =	ssyncadd.s32 $0xFFFFFFB0  }
0x118: {  	[tilespmem:s8], [sflag:$0x8] =	stream.indirect.gather [hbm4b:s1+s10], $0x80, s13, s10, $0xb8;
	[tilespmem:$0x1E400] =	vst v63  }
0x119: {  	_ =	swait.ge [sflag:s24], $0x2800  }
0x11a: {  	[sflag:s24] =	ssyncset.done $0x0  }
0x11b: {  	[sflag:s24] =	ssyncadd.s32 $0xFFFFD800  }
0x11c: {  	_ =	swait.ge [sflag:s26], $0x2800  }
0x11d: {  	[sflag:s26] =	ssyncset.done $0x0  }
0x11e: {  	[sflag:s26] =	ssyncadd.s32 $0xFFFFD800  }
0x11f: {  	[spmem:s3] =	stream.indirect.scatter [tilespmem:s6], [sflag:$0xB], $0x80, s11, s10, $0xb8;
	[tilespmem:$0x1E400] =	vst v63  }
0x120: {  	_ =	swait.ge [sflag:s9], $0x50  }
0x121: {  	[sflag:s9] =	ssyncset.done $0x0  }
0x122: {  	[sflag:s9] =	ssyncadd.s32 $0xFFFFFFB0  }
0x123: {  	_ =	swait.ge [sflag:s9], $0x50  }
0x124: {  	[sflag:s9] =	ssyncset.done $0x0  }
0x125: {  	[sflag:s9] =	ssyncadd.s32 $0xFFFFFFB0  }
0x126: {  	[tilespmem:s19], [sflag:$0x5] =	stream.indirect.gather [hbm4b:s1+s10], $0x80, s4, s10, $0xb8;
	[tilespmem:$0x1E400] =	vst v63  }
0x127: {  	_ =	swait.ge [sflag:s20], $0x2800  }
0x128: {  	[sflag:s20] =	ssyncset.done $0x0  }
0x129: {  	[sflag:s20] =	ssyncadd.s32 $0xFFFFD800  }
0x12a: {  	_ =	swait.ge [sflag:s28], $0x2800  }
0x12b: {  	[sflag:s28] =	ssyncset.done $0x0  }
0x12c: {  	[sflag:s28] =	ssyncadd.s32 $0xFFFFD800  }
0x12d: {  	[spmem:s3] =	stream.indirect.scatter [tilespmem:s8], [sflag:$0xC], $0x80, s15, s10, $0xb8;
	[tilespmem:$0x1E400] =	vst v63  }
0x12e: {  	_ =	swait.ge [sflag:s25], $0x2800  }
0x12f: {  	[sflag:s25] =	ssyncset.done $0x0  }
0x130: {  	[sflag:s25] =	ssyncadd.s32 $0xFFFFD800  }
0x131: {  	_ =	swait.ge [sflag:s17], $0x2800  }
0x132: {  	[sflag:s17] =	ssyncset.done $0x0  }
0x133: {  	[sflag:s17] =	ssyncadd.s32 $0xFFFFD800  }
0x134: {  	[spmem:s3] =	stream.indirect.scatter [tilespmem:s19], [sflag:$0x9], $0x80, s2, s10, $0xb8;
	[tilespmem:$0x1E400] =	vst v63  }
0x135: {  	_ =	swait.ge [sflag:s21], $0x2800  }
0x136: {  	[sflag:s21] =	ssyncset.done $0x0  }
0x137: {  	s14 =	stileid.u32;
	[sflag:s21] =	ssyncadd.s32 $0xFFFFD800  }
0x138: {  	s5 =	sshll.u32 s14, $0x6;
	[bflag:$0x0] =	sbarrier.arrive $0xFFFF  }
0x139: {  	s5 =	sor.u32 $0x1C0D, s5;
	s15 =	rddreg [dreg:$0x11]  }
0x13a: {  	s19 =	simm.s32 $0xD;
	s14 =	rddreg [dreg:$0x1a];
	s6 =	sshrl.u32 s15, $0x3  }
0x13b: {  	[hbm:s14], [sflag:s5] =	dma.local [spmem:s6], $0x2800  }
0x13c: {  	_ =	swait.ge [sflag:s19], $0x2800  }
0x13d: {  	s16 =	rddreg [dreg:$0x1f]  }
0x13e: {  	s20 =	rddreg [dreg:$0x1b];
	s14 =	sadd.s32 $0x1, s16  }
0x13f: {  	p0 =	sne.s32 s14, s20  }
.Ltmp2:
0x140: {  	s30 =	smov.u32 s31;
	(pc) =	sbr.rel @p0 .LBB2_1-.Ltmp2, $4  }
0x141: {  	s31 =	simm.s32 $0x80;
	s0 =	simm.s32 $0x200;
	s7 =	simm.s32 $0x100  }
0x142: {  	s13 =	simm.s32 $0x380;
	s11 =	simm.s32 $0x180;
	s8 =	simm.s32 $0x300  }
0x143: {  	s2 =	simm.s32 $0x280;
	s15 =	simm.s32 $0x400;
	[sflag:s19] =	ssyncset.done $0x0  }
0x144: {  	s6 =	simm.s32 $0x2C00;
	[sflag:s19] =	ssyncadd.s32 $0xFFFFD800;
	s20 =	simm.s32 $0x9  }
0x145: {  	_ =	sfence.sel $0x180000  }
0x146: {  	[bflag:$0x0] =	sbarrier.arrive $0xFFFF  }
0x147: {  	_ =	strace $0x9000004A  }
0x148: {  	s0 =	stileid.u32;
	[bflag:$0x2] =	sbarrier.arrive $0xFFFF  }
0x149: {  	p0 =	sne.s32 s0, $0x0;
	s0 =	rddreg [dreg:$0x3]  }
0x14a: {  	s0 =	sadd.s32 @!p0 $0x100000, s0  }
0x14b: {  	[sflag:s0] =	ssyncadd.tile.s32 @!p0 $0x1;
	_ =	shalt  }
.Lfunc_end2:
_tile_overlayer_lowered:
.L_overlay_start_2:
0x14c: {  	(tag) =	ssettag $0x2  }
0x14d: {  	s0 =	rddreg [dreg:$0x0];
	s2 =	stileid.u32  }
0x14e: {  	s1 =	rddreg [dreg:$0x1];
	p0 =	sne.s32 s2, $0x0  }
0x14f: {  	s3 =	rddreg [dreg:$0x2];
	[bflag:$0x3] =	sbarrier.arrive $0xFFFF;
	s2 =	simm.s32 @!p0 $0x1C0D  }
0x150: {  	[timem:s3], [sflag:s2] =	dma.local @!p0 [hbm:s0], s1  }
0x151: {  	s0 =	simm.s32 @!p0 $0xD  }
0x152: {  	_ =	swait.ge @!p0 [sflag:s0], s1  }
0x153: {  	s1 =	ssub.s32 @!p0 $0x0, s1;
	[sflag:s0] =	ssyncset.done @!p0 $0x0  }
0x154: {  	[sflag:s0] =	ssyncadd.s32 @!p0 s1  }
0x155: {  	[bflag:$0x3] =	sbarrier.arrive $0xFFFF  }
0x156: {  	_ =	shalt  }

</sc_bundles>
